<compile_context>
chip_gen: v7x
topology: tpu7x:2x2x1
jax: 0.10.2.dev20260603
libtpu: 0.0.44.dev20260713+nightly
codegen_flags: <defaults>
</compile_context>

<pallas_src>
import functools

import jax
import jax.numpy as jnp
from jax import lax
from jax.experimental import pallas as pl
from jax.experimental.pallas import tpu as pltpu
from jax.experimental.pallas import tpu_sc as plsc

N_NODES = 10000
D = 128
E = 320000

CHUNK = 128
N_CHUNKS = E // CHUNK
NW = 32
MAIN_ROWS = 624
TAIL_ROWS = 8
PAD_E = 512
N_CHUNKS_PAD = (E + PAD_E) // CHUNK
CH_A = 80
CH_B = 72
KI = 40
N_ACC = N_NODES + 8

M_TILE = 2000


def _mm_body(x_ref, w_ref, b_ref, cj_ref, o_ref):
    h = lax.dot_general(x_ref[...], w_ref[...],
                        (((1,), (1,)), ((), ())),
                        preferred_element_type=jnp.float32)
    o_ref[...] = (h + b_ref[...]) * cj_ref[...]


def _feature_transform(x, w, b, cj):
    grid = (N_NODES // M_TILE,)
    return pl.pallas_call(
        _mm_body,
        grid=grid,
        in_specs=[
            pl.BlockSpec((M_TILE, D), lambda i: (i, 0)),
            pl.BlockSpec((D, D), lambda i: (0, 0)),
            pl.BlockSpec((1, D), lambda i: (0, 0)),
            pl.BlockSpec((M_TILE, 1), lambda i: (i, 0)),
        ],
        out_specs=pl.BlockSpec((M_TILE, D), lambda i: (i, 0)),
        out_shape=jax.ShapeDtypeStruct((N_NODES, D), jnp.float32),
    )(x, w, b, cj)


def _sc_scatter(weighted, src2d, dst2d):
    mesh = plsc.VectorSubcoreMesh(core_axis_name="c", subcore_axis_name="s")

    @functools.partial(
        pl.kernel,
        mesh=mesh,
        out_type=jax.ShapeDtypeStruct((2, N_NODES, D), jnp.float32),
        scratch_types=[
            pltpu.VMEM((KI, CHUNK), jnp.int32),
            pltpu.VMEM((KI, CHUNK), jnp.int32),
            pltpu.VMEM((CHUNK,), jnp.int32),
            pltpu.VMEM((CHUNK,), jnp.int32),
            pltpu.VMEM((CHUNK, D), jnp.float32),
            pltpu.VMEM((CHUNK, D), jnp.float32),
            pltpu.VMEM_SHARED((N_ACC, D), jnp.float32),
            pltpu.SemaphoreType.DMA,
            pltpu.SemaphoreType.DMA,
            pltpu.SemaphoreType.DMA,
            pltpu.SemaphoreType.DMA,
            pltpu.SemaphoreType.DMA,
        ],
    )
    def k(w_hbm, src_hbm, dst_hbm, out_hbm,
          src_v, dst_v, dstf0, dstf1, rows0, rows1, acc_sh,
          sem0, sem1, ssem0, ssem1, sem_t):
        cid = lax.axis_index("c")
        sid = lax.axis_index("s")
        wid = sid * 2 + cid

        base = pl.multiple_of(
            jnp.where(wid < 25, CH_A * wid, 25 * CH_A + CH_B * (wid - 25)), 8)
        n = jnp.where(wid < 25, CH_A, CH_B)

        pltpu.async_copy(src_hbm.at[pl.ds(base, KI)], src_v, ssem0)
        pltpu.async_copy(dst_hbm.at[pl.ds(base, KI)], dst_v, ssem1)

        zvec = jnp.zeros((16,), jnp.float32)

        def zfill(r, carry):
            for t in range(D // 16):
                rows0[r, pl.ds(16 * t, 16)] = zvec
            return carry

        lax.fori_loop(0, CHUNK, zfill, 0)
        for q in range(4):
            pltpu.async_copy(
                rows0, acc_sh.at[pl.ds(sid * MAIN_ROWS + q * CHUNK, CHUNK)], sem0)
        pltpu.async_copy(rows0.at[pl.ds(0, MAIN_ROWS - 4 * CHUNK)],
                         acc_sh.at[pl.ds(sid * MAIN_ROWS + 4 * CHUNK,
                                         MAIN_ROWS - 4 * CHUNK)], sem1)

        @pl.when(sid < 2)
        def _():
            off = 16 * MAIN_ROWS + sid * TAIL_ROWS
            pltpu.async_copy(rows0.at[pl.ds(0, TAIL_ROWS)],
                             acc_sh.at[pl.ds(off, TAIL_ROWS)], sem_t)
            pltpu.make_async_copy(rows0.at[pl.ds(0, TAIL_ROWS)],
                                  acc_sh.at[pl.ds(off, TAIL_ROWS)], sem_t).wait()

        for q in range(4):
            pltpu.make_async_copy(
                rows0, acc_sh.at[pl.ds(sid * MAIN_ROWS + q * CHUNK, CHUNK)],
                sem0).wait()
        pltpu.make_async_copy(rows0.at[pl.ds(0, MAIN_ROWS - 4 * CHUNK)],
                              acc_sh.at[pl.ds(sid * MAIN_ROWS + 4 * CHUNK,
                                              MAIN_ROWS - 4 * CHUNK)], sem1).wait()

        plsc.subcore_barrier()

        for b in range(2):
            if b == 0:
                pltpu.make_async_copy(
                    src_hbm.at[pl.ds(base, KI)], src_v, ssem0).wait()
                pltpu.make_async_copy(
                    dst_hbm.at[pl.ds(base, KI)], dst_v, ssem1).wait()
            else:
                pltpu.async_copy(src_hbm.at[pl.ds(base + KI, KI)], src_v, ssem0)
                pltpu.async_copy(dst_hbm.at[pl.ds(base + KI, KI)], dst_v, ssem1)
                pltpu.make_async_copy(
                    src_hbm.at[pl.ds(base + KI, KI)], src_v, ssem0).wait()
                pltpu.make_async_copy(
                    dst_hbm.at[pl.ds(base + KI, KI)], dst_v, ssem1).wait()
            nb = KI if b == 0 else n - KI

            def stage_row(row, dstref):
                for t in range(CHUNK // 16):
                    dstref[pl.ds(16 * t, 16)] = dst_v[row, pl.ds(16 * t, 16)]

            pltpu.async_copy(w_hbm.at[src_v.at[0]], rows0, sem0)
            stage_row(0, dstf0)

            def body(h, carry):
                j = 2 * h
                pltpu.async_copy(w_hbm.at[src_v.at[j + 1]], rows1, sem1)
                stage_row(j + 1, dstf1)
                pltpu.make_async_copy(w_hbm.at[src_v.at[j]], rows0, sem0).wait()
                pltpu.sync_copy(rows0, acc_sh.at[dstf0], add=True)
                jn = jnp.minimum(j + 2, nb - 1)
                pltpu.async_copy(w_hbm.at[src_v.at[jn]], rows0, sem0)
                stage_row(jn, dstf0)
                pltpu.make_async_copy(w_hbm.at[src_v.at[j + 1]], rows1, sem1).wait()
                pltpu.sync_copy(rows1, acc_sh.at[dstf1], add=True)
                return carry

            lax.fori_loop(0, nb // 2, body, 0)
            pltpu.make_async_copy(w_hbm.at[src_v.at[0]], rows0, sem0).wait()

        plsc.subcore_barrier()
        pltpu.sync_copy(acc_sh.at[pl.ds(sid * MAIN_ROWS, MAIN_ROWS)],
                        out_hbm.at[cid, pl.ds(sid * MAIN_ROWS, MAIN_ROWS)])

        @pl.when(sid < 2)
        def _():
            off = 16 * MAIN_ROWS + sid * TAIL_ROWS
            pltpu.sync_copy(acc_sh.at[pl.ds(off, TAIL_ROWS)],
                            out_hbm.at[cid, pl.ds(off, TAIL_ROWS)])

    return k(weighted, src2d, dst2d)


def _combine_body(p_ref, ci_ref, o_ref):
    o_ref[...] = (p_ref[0] + p_ref[1]) * ci_ref[...]


def _combine(partials, ci):
    grid = (N_NODES // M_TILE,)
    return pl.pallas_call(
        _combine_body,
        grid=grid,
        in_specs=[
            pl.BlockSpec((2, M_TILE, D), lambda i: (0, i, 0)),
            pl.BlockSpec((M_TILE, 1), lambda i: (i, 0)),
        ],
        out_specs=pl.BlockSpec((M_TILE, D), lambda i: (i, 0)),
        out_shape=jax.ShapeDtypeStruct((N_NODES, D), jnp.float32),
    )(partials, ci)


def kernel(x, edge_index, cj, ci, W, b):
    src = jnp.concatenate(
        [edge_index[0].astype(jnp.int32),
         jnp.zeros((PAD_E,), jnp.int32)]).reshape(N_CHUNKS_PAD, CHUNK)
    dst = jnp.concatenate(
        [edge_index[1].astype(jnp.int32),
         N_NODES + (jnp.arange(PAD_E, dtype=jnp.int32) % 8)]
    ).reshape(N_CHUNKS_PAD, CHUNK)
    weighted = _feature_transform(x, W, b.reshape(1, D), cj)
    partials = _sc_scatter(weighted, src, dst)
    return _combine(partials, ci)

# --- scband reference (transcript-rebuilt; emitter-appended) ---
"""Pipeline reference for scband-gcmcconv-38010460570190 (READ-ONLY COPY).

The authoritative reference and input builder live on the scoring server;
editing this copy changes nothing except your own understanding.
"""

import jax, jax.numpy as jnp
import numpy as np

N_NODES = 10000
N_EDGES = 320000
D_IN = 128
D_OUT = 128


def setup_inputs(seed: int = 0) -> dict:
    key = jax.random.key(seed)
    k1, k2, k3, k4, k5, k6 = jax.random.split(key, 6)
    x = jax.random.normal(k1, (N_NODES, D_IN), dtype=jnp.float32)
    edge_index = jax.random.randint(k2, (2, N_EDGES), 0, N_NODES, dtype=jnp.int64)
    # cj: out-degree normalizer of sources ** (-1/2); ci: in-degree normalizer of dests ** (-1/2)
    cj = jax.random.uniform(k3, (N_NODES, 1), dtype=jnp.float32)
    ci = jax.random.uniform(k4, (N_NODES, 1), dtype=jnp.float32)
    # Linear layer params (xavier-uniform weight, zero-ish bias like torch default)
    limit = float(np.sqrt(6.0 / (D_IN + D_OUT)))
    W = jax.random.uniform(k5, (D_OUT, D_IN), dtype=jnp.float32, minval=-limit, maxval=limit)
    b = jax.random.uniform(k6, (D_OUT,), dtype=jnp.float32, minval=-0.01, maxval=0.01)
    return {"x": x, "edge_index": edge_index, "cj": cj, "ci": ci, "W": W, "b": b}


def reference(x, edge_index, cj, ci, W, b):
    # feature transform: Linear(in_feats_dim, out_feats_dim)
    h = x @ W.T + b
    # dropout p=0.0 on cj -> identity
    weighted = h * cj  # scale src features by cj (broadcast over feature dim)
    src = edge_index[0]
    dst = edge_index[1]
    # message passing: copy_src('h','m') then sum('m','out')  == scatter-add by dst
    msg = jnp.take(weighted, src, axis=0)
    out_agg = jax.ops.segment_sum(msg, dst, num_segments=N_NODES)
    out = out_agg * ci
    return out

if __name__ == "__main__":
    import jax
    _d = setup_inputs()
    print(jax.jit(kernel)(*tuple(_d.values())))

</pallas_src>

<mosaic_0001>
#map = affine_map<(d0, d1) -> (0, 0)>
#map1 = affine_map<(d0, d1) -> (0, 0, 0)>
module attributes {stable_mosaic.version = 14 : i64} {
  func.func @k(%arg0: i32, %arg1: i32, %arg2: memref<10000x128xf32, #tpu.memory_space<hbm>>, %arg3: memref<2504x128xi32, #tpu.memory_space<hbm>>, %arg4: memref<2504x128xi32, #tpu.memory_space<hbm>>, %arg5: memref<2x10000x128xf32, #tpu.memory_space<hbm>>, %arg6: memref<40x128xi32, #tpu.memory_space<vmem>>, %arg7: memref<40x128xi32, #tpu.memory_space<vmem>>, %arg8: memref<128xi32, #tpu.memory_space<vmem>>, %arg9: memref<128xi32, #tpu.memory_space<vmem>>, %arg10: memref<128x128xf32, #tpu.memory_space<vmem>>, %arg11: memref<128x128xf32, #tpu.memory_space<vmem>>, %arg12: memref<10008x128xf32, #tpu.memory_space<vmem_shared>>, %arg13: memref<!tpu.dma_semaphore, #tpu.memory_space<semaphore_mem>>, %arg14: memref<!tpu.dma_semaphore, #tpu.memory_space<semaphore_mem>>, %arg15: memref<!tpu.dma_semaphore, #tpu.memory_space<semaphore_mem>>, %arg16: memref<!tpu.dma_semaphore, #tpu.memory_space<semaphore_mem>>, %arg17: memref<!tpu.dma_semaphore, #tpu.memory_space<semaphore_mem>>) attributes {dimension_semantics = [#tpu.dimension_semantics<core_parallel>, #tpu.dimension_semantics<subcore_parallel>], iteration_bounds = array<i64: 2, 16>, scalar_prefetch = 0 : i64, scratch_operands = 12 : i64, tpu.core_type = #tpu.core_type<sc_vector_subcore>, window_params = [{transform_indices = #map}, {transform_indices = #map}, {transform_indices = #map}, {transform_indices = #map1}]} {
    %mul3A = arith.constant 2 : i32
    %mul3A_0 = arith.muli %arg1, %mul3A : i32
    %add3A = arith.addi %mul3A_0, %arg0 : i32
    %lt3A = arith.constant 25 : i32
    %lt3A_1 = arith.cmpi slt, %add3A, %lt3A : i32
    %mul3A_2 = arith.constant 80 : i32
    %mul3A_3 = arith.muli %mul3A_2, %add3A : i32
    %sub3A = arith.constant 25 : i32
    %sub3A_4 = arith.subi %add3A, %sub3A : i32
    %mul3A_5 = arith.constant 72 : i32
    %mul3A_6 = arith.muli %mul3A_5, %sub3A_4 : i32
    %add3A_7 = arith.constant 2000 : i32
    %add3A_8 = arith.addi %add3A_7, %mul3A_6 : i32
    %select_n3A = arith.select %lt3A_1, %mul3A_3, %add3A_8 : i32
    %multiple_of3A = tpu.assume_multiple %select_n3A, 8 : i32
    %lt3A_9 = arith.constant 25 : i32
    %lt3A_10 = arith.cmpi slt, %add3A, %lt3A_9 : i32
    %jit3A = arith.constant 80 : i32
    %jit3A_11 = arith.constant 72 : i32
    %select_n3A_12 = arith.select %lt3A_10, %jit3A, %jit3A_11 : i32
    %dma_start3A = arith.constant 0 : i32
    %dma_start3A_13 = tpu.memref_slice %arg3[%multiple_of3A, %dma_start3A] : memref<2504x128xi32, #tpu.memory_space<hbm>> -> memref<40x128xi32, #tpu.memory_space<hbm>>
    %dma_start3A_14 = arith.constant 0 : i32
    %dma_start3A_15 = tpu.memref_slice %arg3[%multiple_of3A, %dma_start3A_14] : memref<2504x128xi32, #tpu.memory_space<hbm>> -> memref<40x128xi32, #tpu.memory_space<hbm>>
    tpu.enqueue_dma source(%dma_start3A_15 : memref<40x128xi32, #tpu.memory_space<hbm>>) target(%arg6 : memref<40x128xi32, #tpu.memory_space<vmem>>) target_semaphore(%arg15 : memref<!tpu.dma_semaphore, #tpu.memory_space<semaphore_mem>>)
    %dma_start3A_16 = arith.constant 0 : i32
    %dma_start3A_17 = tpu.memref_slice %arg4[%multiple_of3A, %dma_start3A_16] : memref<2504x128xi32, #tpu.memory_space<hbm>> -> memref<40x128xi32, #tpu.memory_space<hbm>>
    %dma_start3A_18 = arith.constant 0 : i32
    %dma_start3A_19 = tpu.memref_slice %arg4[%multiple_of3A, %dma_start3A_18] : memref<2504x128xi32, #tpu.memory_space<hbm>> -> memref<40x128xi32, #tpu.memory_space<hbm>>
    tpu.enqueue_dma source(%dma_start3A_19 : memref<40x128xi32, #tpu.memory_space<hbm>>) target(%arg7 : memref<40x128xi32, #tpu.memory_space<vmem>>) target_semaphore(%arg16 : memref<!tpu.dma_semaphore, #tpu.memory_space<semaphore_mem>>)
    %broadcast_in_dim3A = arith.constant 0.000000e+00 : f32
    %broadcast_in_dim3A_20 = vector.broadcast %broadcast_in_dim3A : f32 to vector<16xf32>
    %scan3A = arith.constant 0 : i32
    %scan3A_21 = arith.constant 0 : i32
    %scan3A_22 = arith.constant 128 : i32
    %scan3A_23 = arith.addi %scan3A_21, %scan3A_22 : i32
    %scan3A_24 = arith.constant 1 : i32
    scf.for %scan3A_368 = %scan3A_21 to %scan3A_23 step %scan3A_24  : i32 {
      %swap3A_369 = arith.index_cast %scan3A_368 : i32 to index
      %swap3A_370 = arith.constant 0 : index
      %swap3A_371 = tpu.vector_load %arg10[%swap3A_369, %swap3A_370] {strides = array<i32>} : memref<128x128xf32, #tpu.memory_space<vmem>>, vector<1x16xf32>,
      %swap3A_372 = vector.shape_cast %swap3A_371 : vector<1x16xf32> to vector<16xf32>
      %swap3A_373 = vector.shape_cast %broadcast_in_dim3A_20 : vector<16xf32> to vector<1x16xf32>
      tpu.vector_store %arg10[%swap3A_369, %swap3A_370], %swap3A_373 {strides = array<i32>} : memref<128x128xf32, #tpu.memory_space<vmem>>, vector<1x16xf32>,
      %swap3A_374 = arith.index_cast %scan3A_368 : i32 to index
      %swap3A_375 = arith.constant 16 : index
      %swap3A_376 = tpu.vector_load %arg10[%swap3A_374, %swap3A_375] {strides = array<i32>} : memref<128x128xf32, #tpu.memory_space<vmem>>, vector<1x16xf32>,
      %swap3A_377 = vector.shape_cast %swap3A_376 : vector<1x16xf32> to vector<16xf32>
      %swap3A_378 = vector.shape_cast %broadcast_in_dim3A_20 : vector<16xf32> to vector<1x16xf32>
      tpu.vector_store %arg10[%swap3A_374, %swap3A_375], %swap3A_378 {strides = array<i32>} : memref<128x128xf32, #tpu.memory_space<vmem>>, vector<1x16xf32>,
      %swap3A_379 = arith.index_cast %scan3A_368 : i32 to index
      %swap3A_380 = arith.constant 32 : index
      %swap3A_381 = tpu.vector_load %arg10[%swap3A_379, %swap3A_380] {strides = array<i32>} : memref<128x128xf32, #tpu.memory_space<vmem>>, vector<1x16xf32>,
      %swap3A_382 = vector.shape_cast %swap3A_381 : vector<1x16xf32> to vector<16xf32>
      %swap3A_383 = vector.shape_cast %broadcast_in_dim3A_20 : vector<16xf32> to vector<1x16xf32>
      tpu.vector_store %arg10[%swap3A_379, %swap3A_380], %swap3A_383 {strides = array<i32>} : memref<128x128xf32, #tpu.memory_space<vmem>>, vector<1x16xf32>,
      %swap3A_384 = arith.index_cast %scan3A_368 : i32 to index
      %swap3A_385 = arith.constant 48 : index
      %swap3A_386 = tpu.vector_load %arg10[%swap3A_384, %swap3A_385] {strides = array<i32>} : memref<128x128xf32, #tpu.memory_space<vmem>>, vector<1x16xf32>,
      %swap3A_387 = vector.shape_cast %swap3A_386 : vector<1x16xf32> to vector<16xf32>
      %swap3A_388 = vector.shape_cast %broadcast_in_dim3A_20 : vector<16xf32> to vector<1x16xf32>
      tpu.vector_store %arg10[%swap3A_384, %swap3A_385], %swap3A_388 {strides = array<i32>} : memref<128x128xf32, #tpu.memory_space<vmem>>, vector<1x16xf32>,
      %swap3A_389 = arith.index_cast %scan3A_368 : i32 to index
      %swap3A_390 = arith.constant 64 : index
      %swap3A_391 = tpu.vector_load %arg10[%swap3A_389, %swap3A_390] {strides = array<i32>} : memref<128x128xf32, #tpu.memory_space<vmem>>, vector<1x16xf32>,
      %swap3A_392 = vector.shape_cast %swap3A_391 : vector<1x16xf32> to vector<16xf32>
      %swap3A_393 = vector.shape_cast %broadcast_in_dim3A_20 : vector<16xf32> to vector<1x16xf32>
      tpu.vector_store %arg10[%swap3A_389, %swap3A_390], %swap3A_393 {strides = array<i32>} : memref<128x128xf32, #tpu.memory_space<vmem>>, vector<1x16xf32>,
      %swap3A_394 = arith.index_cast %scan3A_368 : i32 to index
      %swap3A_395 = arith.constant 80 : index
      %swap3A_396 = tpu.vector_load %arg10[%swap3A_394, %swap3A_395] {strides = array<i32>} : memref<128x128xf32, #tpu.memory_space<vmem>>, vector<1x16xf32>,
      %swap3A_397 = vector.shape_cast %swap3A_396 : vector<1x16xf32> to vector<16xf32>
      %swap3A_398 = vector.shape_cast %broadcast_in_dim3A_20 : vector<16xf32> to vector<1x16xf32>
      tpu.vector_store %arg10[%swap3A_394, %swap3A_395], %swap3A_398 {strides = array<i32>} : memref<128x128xf32, #tpu.memory_space<vmem>>, vector<1x16xf32>,
      %swap3A_399 = arith.index_cast %scan3A_368 : i32 to index
      %swap3A_400 = arith.constant 96 : index
      %swap3A_401 = tpu.vector_load %arg10[%swap3A_399, %swap3A_400] {strides = array<i32>} : memref<128x128xf32, #tpu.memory_space<vmem>>, vector<1x16xf32>,
      %swap3A_402 = vector.shape_cast %swap3A_401 : vector<1x16xf32> to vector<16xf32>
      %swap3A_403 = vector.shape_cast %broadcast_in_dim3A_20 : vector<16xf32> to vector<1x16xf32>
      tpu.vector_store %arg10[%swap3A_399, %swap3A_400], %swap3A_403 {strides = array<i32>} : memref<128x128xf32, #tpu.memory_space<vmem>>, vector<1x16xf32>,
      %swap3A_404 = arith.index_cast %scan3A_368 : i32 to index
      %swap3A_405 = arith.constant 112 : index
      %swap3A_406 = tpu.vector_load %arg10[%swap3A_404, %swap3A_405] {strides = array<i32>} : memref<128x128xf32, #tpu.memory_space<vmem>>, vector<1x16xf32>,
      %swap3A_407 = vector.shape_cast %swap3A_406 : vector<1x16xf32> to vector<16xf32>
      %swap3A_408 = vector.shape_cast %broadcast_in_dim3A_20 : vector<16xf32> to vector<1x16xf32>
      tpu.vector_store %arg10[%swap3A_404, %swap3A_405], %swap3A_408 {strides = array<i32>} : memref<128x128xf32, #tpu.memory_space<vmem>>, vector<1x16xf32>,
    }
    %scan3A_25 = arith.constant 128 : i32
    %mul3A_26 = arith.constant 624 : i32
    %mul3A_27 = arith.muli %arg1, %mul3A_26 : i32
    %add3A_28 = arith.constant 0 : i32
    %add3A_29 = arith.addi %mul3A_27, %add3A_28 : i32
    %dma_start3A_30 = arith.constant 0 : i32
    %dma_start3A_31 = tpu.memref_slice %arg12[%add3A_29, %dma_start3A_30] : memref<10008x128xf32, #tpu.memory_space<vmem_shared>> -> memref<128x128xf32, #tpu.memory_space<vmem_shared>>
    %dma_start3A_32 = arith.constant 0 : i32
    %dma_start3A_33 = tpu.memref_slice %arg12[%add3A_29, %dma_start3A_32] : memref<10008x128xf32, #tpu.memory_space<vmem_shared>> -> memref<128x128xf32, #tpu.memory_space<vmem_shared>>
    tpu.enqueue_dma source(%arg10 : memref<128x128xf32, #tpu.memory_space<vmem>>) target(%dma_start3A_33 : memref<128x128xf32, #tpu.memory_space<vmem_shared>>) target_semaphore(%arg13 : memref<!tpu.dma_semaphore, #tpu.memory_space<semaphore_mem>>)
    %mul3A_34 = arith.constant 624 : i32
    %mul3A_35 = arith.muli %arg1, %mul3A_34 : i32
    %add3A_36 = arith.constant 128 : i32
    %add3A_37 = arith.addi %mul3A_35, %add3A_36 : i32
    %dma_start3A_38 = arith.constant 0 : i32
    %dma_start3A_39 = tpu.memref_slice %arg12[%add3A_37, %dma_start3A_38] : memref<10008x128xf32, #tpu.memory_space<vmem_shared>> -> memref<128x128xf32, #tpu.memory_space<vmem_shared>>
    %dma_start3A_40 = arith.constant 0 : i32
    %dma_start3A_41 = tpu.memref_slice %arg12[%add3A_37, %dma_start3A_40] : memref<10008x128xf32, #tpu.memory_space<vmem_shared>> -> memref<128x128xf32, #tpu.memory_space<vmem_shared>>
    tpu.enqueue_dma source(%arg10 : memref<128x128xf32, #tpu.memory_space<vmem>>) target(%dma_start3A_41 : memref<128x128xf32, #tpu.memory_space<vmem_shared>>) target_semaphore(%arg13 : memref<!tpu.dma_semaphore, #tpu.memory_space<semaphore_mem>>)
    %mul3A_42 = arith.constant 624 : i32
    %mul3A_43 = arith.muli %arg1, %mul3A_42 : i32
    %add3A_44 = arith.constant 256 : i32
    %add3A_45 = arith.addi %mul3A_43, %add3A_44 : i32
    %dma_start3A_46 = arith.constant 0 : i32
    %dma_start3A_47 = tpu.memref_slice %arg12[%add3A_45, %dma_start3A_46] : memref<10008x128xf32, #tpu.memory_space<vmem_shared>> -> memref<128x128xf32, #tpu.memory_space<vmem_shared>>
    %dma_start3A_48 = arith.constant 0 : i32
    %dma_start3A_49 = tpu.memref_slice %arg12[%add3A_45, %dma_start3A_48] : memref<10008x128xf32, #tpu.memory_space<vmem_shared>> -> memref<128x128xf32, #tpu.memory_space<vmem_shared>>
    tpu.enqueue_dma source(%arg10 : memref<128x128xf32, #tpu.memory_space<vmem>>) target(%dma_start3A_49 : memref<128x128xf32, #tpu.memory_space<vmem_shared>>) target_semaphore(%arg13 : memref<!tpu.dma_semaphore, #tpu.memory_space<semaphore_mem>>)
    %mul3A_50 = arith.constant 624 : i32
    %mul3A_51 = arith.muli %arg1, %mul3A_50 : i32
    %add3A_52 = arith.constant 384 : i32
    %add3A_53 = arith.addi %mul3A_51, %add3A_52 : i32
    %dma_start3A_54 = arith.constant 0 : i32
    %dma_start3A_55 = tpu.memref_slice %arg12[%add3A_53, %dma_start3A_54] : memref<10008x128xf32, #tpu.memory_space<vmem_shared>> -> memref<128x128xf32, #tpu.memory_space<vmem_shared>>
    %dma_start3A_56 = arith.constant 0 : i32
    %dma_start3A_57 = tpu.memref_slice %arg12[%add3A_53, %dma_start3A_56] : memref<10008x128xf32, #tpu.memory_space<vmem_shared>> -> memref<128x128xf32, #tpu.memory_space<vmem_shared>>
    tpu.enqueue_dma source(%arg10 : memref<128x128xf32, #tpu.memory_space<vmem>>) target(%dma_start3A_57 : memref<128x128xf32, #tpu.memory_space<vmem_shared>>) target_semaphore(%arg13 : memref<!tpu.dma_semaphore, #tpu.memory_space<semaphore_mem>>)
    %mul3A_58 = arith.constant 624 : i32
    %mul3A_59 = arith.muli %arg1, %mul3A_58 : i32
    %add3A_60 = arith.constant 512 : i32
    %add3A_61 = arith.addi %mul3A_59, %add3A_60 : i32
    %dma_start3A_62 = arith.constant 0 : i32
    %dma_start3A_63 = arith.constant 0 : i32
    %dma_start3A_64 = tpu.memref_slice %arg10[%dma_start3A_62, %dma_start3A_63] : memref<128x128xf32, #tpu.memory_space<vmem>> -> memref<112x128xf32, #tpu.memory_space<vmem>>
    %dma_start3A_65 = arith.constant 0 : i32
    %dma_start3A_66 = tpu.memref_slice %arg12[%add3A_61, %dma_start3A_65] : memref<10008x128xf32, #tpu.memory_space<vmem_shared>> -> memref<112x128xf32, #tpu.memory_space<vmem_shared>>
    %dma_start3A_67 = arith.constant 0 : i32
    %dma_start3A_68 = tpu.memref_slice %arg12[%add3A_61, %dma_start3A_67] : memref<10008x128xf32, #tpu.memory_space<vmem_shared>> -> memref<112x128xf32, #tpu.memory_space<vmem_shared>>
    %dma_start3A_69 = arith.constant 0 : i32
    %dma_start3A_70 = arith.constant 0 : i32
    %dma_start3A_71 = tpu.memref_slice %arg10[%dma_start3A_69, %dma_start3A_70] : memref<128x128xf32, #tpu.memory_space<vmem>> -> memref<112x128xf32, #tpu.memory_space<vmem>>
    tpu.enqueue_dma source(%dma_start3A_71 : memref<112x128xf32, #tpu.memory_space<vmem>>) target(%dma_start3A_68 : memref<112x128xf32, #tpu.memory_space<vmem_shared>>) target_semaphore(%arg14 : memref<!tpu.dma_semaphore, #tpu.memory_space<semaphore_mem>>)
    %lt3A_72 = arith.constant 2 : i32
    %lt3A_73 = arith.cmpi slt, %arg1, %lt3A_72 : i32
    %convert_element_type3A = arith.extui %lt3A_73 : i1 to i32
    %cond3A = arith.constant 0 : i32
    %cond3A_74 = arith.cmpi ne, %convert_element_type3A, %cond3A : i32
    scf.if %cond3A_74 {
      %mul3A_368 = arith.constant 8 : i32
      %mul3A_369 = arith.muli %arg1, %mul3A_368 : i32
      %add3A_370 = arith.constant 9984 : i32
      %add3A_371 = arith.addi %add3A_370, %mul3A_369 : i32
      %dma_start3A_372 = arith.constant 0 : i32
      %dma_start3A_373 = arith.constant 0 : i32
      %dma_start3A_374 = tpu.memref_slice %arg10[%dma_start3A_372, %dma_start3A_373] : memref<128x128xf32, #tpu.memory_space<vmem>> -> memref<8x128xf32, #tpu.memory_space<vmem>>
      %dma_start3A_375 = arith.constant 0 : i32
      %dma_start3A_376 = tpu.memref_slice %arg12[%add3A_371, %dma_start3A_375] : memref<10008x128xf32, #tpu.memory_space<vmem_shared>> -> memref<8x128xf32, #tpu.memory_space<vmem_shared>>
      %dma_start3A_377 = arith.constant 0 : i32
      %dma_start3A_378 = tpu.memref_slice %arg12[%add3A_371, %dma_start3A_377] : memref<10008x128xf32, #tpu.memory_space<vmem_shared>> -> memref<8x128xf32, #tpu.memory_space<vmem_shared>>
      %dma_start3A_379 = arith.constant 0 : i32
      %dma_start3A_380 = arith.constant 0 : i32
      %dma_start3A_381 = tpu.memref_slice %arg10[%dma_start3A_379, %dma_start3A_380] : memref<128x128xf32, #tpu.memory_space<vmem>> -> memref<8x128xf32, #tpu.memory_space<vmem>>
      tpu.enqueue_dma source(%dma_start3A_381 : memref<8x128xf32, #tpu.memory_space<vmem>>) target(%dma_start3A_378 : memref<8x128xf32, #tpu.memory_space<vmem_shared>>) target_semaphore(%arg17 : memref<!tpu.dma_semaphore, #tpu.memory_space<semaphore_mem>>)
      %dma_wait3A_382 = arith.constant 0 : i32
      %dma_wait3A_383 = arith.constant 0 : i32
      %dma_wait3A_384 = tpu.memref_slice %arg10[%dma_wait3A_382, %dma_wait3A_383] : memref<128x128xf32, #tpu.memory_space<vmem>> -> memref<8x128xf32, #tpu.memory_space<vmem>>
      %dma_wait3A_385 = arith.constant 0 : i32
      %dma_wait3A_386 = tpu.memref_slice %arg12[%add3A_371, %dma_wait3A_385] : memref<10008x128xf32, #tpu.memory_space<vmem_shared>> -> memref<8x128xf32, #tpu.memory_space<vmem_shared>>
      %dma_wait3A_387 = arith.constant 0 : i32
      %dma_wait3A_388 = tpu.memref_slice %arg12[%add3A_371, %dma_wait3A_387] : memref<10008x128xf32, #tpu.memory_space<vmem_shared>> -> memref<8x128xf32, #tpu.memory_space<vmem_shared>>
      %dma_wait3A_389 = arith.constant 0 : i32
      %dma_wait3A_390 = arith.constant 0 : i32
      %dma_wait3A_391 = tpu.memref_slice %arg10[%dma_wait3A_389, %dma_wait3A_390] : memref<128x128xf32, #tpu.memory_space<vmem>> -> memref<8x128xf32, #tpu.memory_space<vmem>>
      tpu.wait_dma2 semaphore(%arg17 : memref<!tpu.dma_semaphore, #tpu.memory_space<semaphore_mem>>) src(%dma_wait3A_391 : memref<8x128xf32, #tpu.memory_space<vmem>>) dst(%dma_wait3A_388 : memref<8x128xf32, #tpu.memory_space<vmem_shared>>)
    } else {
    }
    %mul3A_75 = arith.constant 624 : i32
    %mul3A_76 = arith.muli %arg1, %mul3A_75 : i32
    %add3A_77 = arith.constant 0 : i32
    %add3A_78 = arith.addi %mul3A_76, %add3A_77 : i32
    %dma_wait3A = arith.constant 0 : i32
    %dma_wait3A_79 = tpu.memref_slice %arg12[%add3A_78, %dma_wait3A] : memref<10008x128xf32, #tpu.memory_space<vmem_shared>> -> memref<128x128xf32, #tpu.memory_space<vmem_shared>>
    %dma_wait3A_80 = arith.constant 0 : i32
    %dma_wait3A_81 = tpu.memref_slice %arg12[%add3A_78, %dma_wait3A_80] : memref<10008x128xf32, #tpu.memory_space<vmem_shared>> -> memref<128x128xf32, #tpu.memory_space<vmem_shared>>
    tpu.wait_dma2 semaphore(%arg13 : memref<!tpu.dma_semaphore, #tpu.memory_space<semaphore_mem>>) src(%arg10 : memref<128x128xf32, #tpu.memory_space<vmem>>) dst(%dma_wait3A_81 : memref<128x128xf32, #tpu.memory_space<vmem_shared>>)
    %mul3A_82 = arith.constant 624 : i32
    %mul3A_83 = arith.muli %arg1, %mul3A_82 : i32
    %add3A_84 = arith.constant 128 : i32
    %add3A_85 = arith.addi %mul3A_83, %add3A_84 : i32
    %dma_wait3A_86 = arith.constant 0 : i32
    %dma_wait3A_87 = tpu.memref_slice %arg12[%add3A_85, %dma_wait3A_86] : memref<10008x128xf32, #tpu.memory_space<vmem_shared>> -> memref<128x128xf32, #tpu.memory_space<vmem_shared>>
    %dma_wait3A_88 = arith.constant 0 : i32
    %dma_wait3A_89 = tpu.memref_slice %arg12[%add3A_85, %dma_wait3A_88] : memref<10008x128xf32, #tpu.memory_space<vmem_shared>> -> memref<128x128xf32, #tpu.memory_space<vmem_shared>>
    tpu.wait_dma2 semaphore(%arg13 : memref<!tpu.dma_semaphore, #tpu.memory_space<semaphore_mem>>) src(%arg10 : memref<128x128xf32, #tpu.memory_space<vmem>>) dst(%dma_wait3A_89 : memref<128x128xf32, #tpu.memory_space<vmem_shared>>)
    %mul3A_90 = arith.constant 624 : i32
    %mul3A_91 = arith.muli %arg1, %mul3A_90 : i32
    %add3A_92 = arith.constant 256 : i32
    %add3A_93 = arith.addi %mul3A_91, %add3A_92 : i32
    %dma_wait3A_94 = arith.constant 0 : i32
    %dma_wait3A_95 = tpu.memref_slice %arg12[%add3A_93, %dma_wait3A_94] : memref<10008x128xf32, #tpu.memory_space<vmem_shared>> -> memref<128x128xf32, #tpu.memory_space<vmem_shared>>
    %dma_wait3A_96 = arith.constant 0 : i32
    %dma_wait3A_97 = tpu.memref_slice %arg12[%add3A_93, %dma_wait3A_96] : memref<10008x128xf32, #tpu.memory_space<vmem_shared>> -> memref<128x128xf32, #tpu.memory_space<vmem_shared>>
    tpu.wait_dma2 semaphore(%arg13 : memref<!tpu.dma_semaphore, #tpu.memory_space<semaphore_mem>>) src(%arg10 : memref<128x128xf32, #tpu.memory_space<vmem>>) dst(%dma_wait3A_97 : memref<128x128xf32, #tpu.memory_space<vmem_shared>>)
    %mul3A_98 = arith.constant 624 : i32
    %mul3A_99 = arith.muli %arg1, %mul3A_98 : i32
    %add3A_100 = arith.constant 384 : i32
    %add3A_101 = arith.addi %mul3A_99, %add3A_100 : i32
    %dma_wait3A_102 = arith.constant 0 : i32
    %dma_wait3A_103 = tpu.memref_slice %arg12[%add3A_101, %dma_wait3A_102] : memref<10008x128xf32, #tpu.memory_space<vmem_shared>> -> memref<128x128xf32, #tpu.memory_space<vmem_shared>>
    %dma_wait3A_104 = arith.constant 0 : i32
    %dma_wait3A_105 = tpu.memref_slice %arg12[%add3A_101, %dma_wait3A_104] : memref<10008x128xf32, #tpu.memory_space<vmem_shared>> -> memref<128x128xf32, #tpu.memory_space<vmem_shared>>
    tpu.wait_dma2 semaphore(%arg13 : memref<!tpu.dma_semaphore, #tpu.memory_space<semaphore_mem>>) src(%arg10 : memref<128x128xf32, #tpu.memory_space<vmem>>) dst(%dma_wait3A_105 : memref<128x128xf32, #tpu.memory_space<vmem_shared>>)
    %mul3A_106 = arith.constant 624 : i32
    %mul3A_107 = arith.muli %arg1, %mul3A_106 : i32
    %add3A_108 = arith.constant 512 : i32
    %add3A_109 = arith.addi %mul3A_107, %add3A_108 : i32
    %dma_wait3A_110 = arith.constant 0 : i32
    %dma_wait3A_111 = arith.constant 0 : i32
    %dma_wait3A_112 = tpu.memref_slice %arg10[%dma_wait3A_110, %dma_wait3A_111] : memref<128x128xf32, #tpu.memory_space<vmem>> -> memref<112x128xf32, #tpu.memory_space<vmem>>
    %dma_wait3A_113 = arith.constant 0 : i32
    %dma_wait3A_114 = tpu.memref_slice %arg12[%add3A_109, %dma_wait3A_113] : memref<10008x128xf32, #tpu.memory_space<vmem_shared>> -> memref<112x128xf32, #tpu.memory_space<vmem_shared>>
    %dma_wait3A_115 = arith.constant 0 : i32
    %dma_wait3A_116 = tpu.memref_slice %arg12[%add3A_109, %dma_wait3A_115] : memref<10008x128xf32, #tpu.memory_space<vmem_shared>> -> memref<112x128xf32, #tpu.memory_space<vmem_shared>>
    %dma_wait3A_117 = arith.constant 0 : i32
    %dma_wait3A_118 = arith.constant 0 : i32
    %dma_wait3A_119 = tpu.memref_slice %arg10[%dma_wait3A_117, %dma_wait3A_118] : memref<128x128xf32, #tpu.memory_space<vmem>> -> memref<112x128xf32, #tpu.memory_space<vmem>>
    tpu.wait_dma2 semaphore(%arg14 : memref<!tpu.dma_semaphore, #tpu.memory_space<semaphore_mem>>) src(%dma_wait3A_119 : memref<112x128xf32, #tpu.memory_space<vmem>>) dst(%dma_wait3A_116 : memref<112x128xf32, #tpu.memory_space<vmem_shared>>)
    %barrier3A = arith.constant 0 : index
    tpu.barrier barrier_id(%barrier3A)
    %dma_wait3A_120 = arith.constant 0 : i32
    %dma_wait3A_121 = tpu.memref_slice %arg3[%multiple_of3A, %dma_wait3A_120] : memref<2504x128xi32, #tpu.memory_space<hbm>> -> memref<40x128xi32, #tpu.memory_space<hbm>>
    %dma_wait3A_122 = arith.constant 0 : i32
    %dma_wait3A_123 = tpu.memref_slice %arg3[%multiple_of3A, %dma_wait3A_122] : memref<2504x128xi32, #tpu.memory_space<hbm>> -> memref<40x128xi32, #tpu.memory_space<hbm>>
    tpu.wait_dma2 semaphore(%arg15 : memref<!tpu.dma_semaphore, #tpu.memory_space<semaphore_mem>>) src(%dma_wait3A_123 : memref<40x128xi32, #tpu.memory_space<hbm>>) dst(%arg6 : memref<40x128xi32, #tpu.memory_space<vmem>>)
    %dma_wait3A_124 = arith.constant 0 : i32
    %dma_wait3A_125 = tpu.memref_slice %arg4[%multiple_of3A, %dma_wait3A_124] : memref<2504x128xi32, #tpu.memory_space<hbm>> -> memref<40x128xi32, #tpu.memory_space<hbm>>
    %dma_wait3A_126 = arith.constant 0 : i32
    %dma_wait3A_127 = tpu.memref_slice %arg4[%multiple_of3A, %dma_wait3A_126] : memref<2504x128xi32, #tpu.memory_space<hbm>> -> memref<40x128xi32, #tpu.memory_space<hbm>>
    tpu.wait_dma2 semaphore(%arg16 : memref<!tpu.dma_semaphore, #tpu.memory_space<semaphore_mem>>) src(%dma_wait3A_127 : memref<40x128xi32, #tpu.memory_space<hbm>>) dst(%arg7 : memref<40x128xi32, #tpu.memory_space<vmem>>)
    %dma_start3A_128 = arith.constant 0 : i32
    %dma_start3A_129 = arith.constant 0 : i32
    %dma_start3A_130 = tpu.memref_slice %arg6[%dma_start3A_128, %dma_start3A_129] : memref<40x128xi32, #tpu.memory_space<vmem>> -> memref<1x128xi32, #tpu.memory_space<vmem>>
    %dma_start3A_131 = tpu.memref_squeeze %dma_start3A_130 : memref<1x128xi32, #tpu.memory_space<vmem>> -> memref<128xi32, #tpu.memory_space<vmem>>
    %dma_start3A_132 = arith.constant 0 : i32
    %dma_start3A_133 = arith.constant 0 : i32
    %dma_start3A_134 = tpu.memref_slice %arg2[%dma_start3A_132, %dma_start3A_133] : memref<10000x128xf32, #tpu.memory_space<hbm>> -> memref<10000x128xf32, #tpu.memory_space<hbm>>
    tpu.enqueue_indirect_dma source(%dma_start3A_134 : memref<10000x128xf32, #tpu.memory_space<hbm>>) target(%arg10 : memref<128x128xf32, #tpu.memory_space<vmem>>) offsets(%dma_start3A_131 : memref<128xi32, #tpu.memory_space<vmem>>) semaphore(%arg13 : memref<!tpu.dma_semaphore, #tpu.memory_space<semaphore_mem>>)
    %get3A = arith.constant 0 : i32
    %get3A_135 = arith.index_cast %get3A : i32 to index
    %get3A_136 = arith.constant 0 : index
    %get3A_137 = tpu.vector_load %arg7[%get3A_135, %get3A_136] {strides = array<i32>} : memref<40x128xi32, #tpu.memory_space<vmem>>, vector<1x16xi32>,
    %get3A_138 = vector.shape_cast %get3A_137 : vector<1x16xi32> to vector<16xi32>
    %swap3A = arith.constant 0 : index
    %swap3A_139 = tpu.vector_load %arg8[%swap3A] {strides = array<i32>} : memref<128xi32, #tpu.memory_space<vmem>>, vector<16xi32>,
    %swap3A_140 = vector.shape_cast %swap3A_139 : vector<16xi32> to vector<16xi32>
    %swap3A_141 = vector.shape_cast %get3A_138 : vector<16xi32> to vector<16xi32>
    tpu.vector_store %arg8[%swap3A], %swap3A_141 {strides = array<i32>} : memref<128xi32, #tpu.memory_space<vmem>>, vector<16xi32>,
    %get3A_142 = arith.constant 0 : i32
    %get3A_143 = arith.index_cast %get3A_142 : i32 to index
    %get3A_144 = arith.constant 16 : index
    %get3A_145 = tpu.vector_load %arg7[%get3A_143, %get3A_144] {strides = array<i32>} : memref<40x128xi32, #tpu.memory_space<vmem>>, vector<1x16xi32>,
    %get3A_146 = vector.shape_cast %get3A_145 : vector<1x16xi32> to vector<16xi32>
    %swap3A_147 = arith.constant 16 : index
    %swap3A_148 = tpu.vector_load %arg8[%swap3A_147] {strides = array<i32>} : memref<128xi32, #tpu.memory_space<vmem>>, vector<16xi32>,
    %swap3A_149 = vector.shape_cast %swap3A_148 : vector<16xi32> to vector<16xi32>
    %swap3A_150 = vector.shape_cast %get3A_146 : vector<16xi32> to vector<16xi32>
    tpu.vector_store %arg8[%swap3A_147], %swap3A_150 {strides = array<i32>} : memref<128xi32, #tpu.memory_space<vmem>>, vector<16xi32>,
    %get3A_151 = arith.constant 0 : i32
    %get3A_152 = arith.index_cast %get3A_151 : i32 to index
    %get3A_153 = arith.constant 32 : index
    %get3A_154 = tpu.vector_load %arg7[%get3A_152, %get3A_153] {strides = array<i32>} : memref<40x128xi32, #tpu.memory_space<vmem>>, vector<1x16xi32>,
    %get3A_155 = vector.shape_cast %get3A_154 : vector<1x16xi32> to vector<16xi32>
    %swap3A_156 = arith.constant 32 : index
    %swap3A_157 = tpu.vector_load %arg8[%swap3A_156] {strides = array<i32>} : memref<128xi32, #tpu.memory_space<vmem>>, vector<16xi32>,
    %swap3A_158 = vector.shape_cast %swap3A_157 : vector<16xi32> to vector<16xi32>
    %swap3A_159 = vector.shape_cast %get3A_155 : vector<16xi32> to vector<16xi32>
    tpu.vector_store %arg8[%swap3A_156], %swap3A_159 {strides = array<i32>} : memref<128xi32, #tpu.memory_space<vmem>>, vector<16xi32>,
    %get3A_160 = arith.constant 0 : i32
    %get3A_161 = arith.index_cast %get3A_160 : i32 to index
    %get3A_162 = arith.constant 48 : index
    %get3A_163 = tpu.vector_load %arg7[%get3A_161, %get3A_162] {strides = array<i32>} : memref<40x128xi32, #tpu.memory_space<vmem>>, vector<1x16xi32>,
    %get3A_164 = vector.shape_cast %get3A_163 : vector<1x16xi32> to vector<16xi32>
    %swap3A_165 = arith.constant 48 : index
    %swap3A_166 = tpu.vector_load %arg8[%swap3A_165] {strides = array<i32>} : memref<128xi32, #tpu.memory_space<vmem>>, vector<16xi32>,
    %swap3A_167 = vector.shape_cast %swap3A_166 : vector<16xi32> to vector<16xi32>
    %swap3A_168 = vector.shape_cast %get3A_164 : vector<16xi32> to vector<16xi32>
    tpu.vector_store %arg8[%swap3A_165], %swap3A_168 {strides = array<i32>} : memref<128xi32, #tpu.memory_space<vmem>>, vector<16xi32>,
    %get3A_169 = arith.constant 0 : i32
    %get3A_170 = arith.index_cast %get3A_169 : i32 to index
    %get3A_171 = arith.constant 64 : index
    %get3A_172 = tpu.vector_load %arg7[%get3A_170, %get3A_171] {strides = array<i32>} : memref<40x128xi32, #tpu.memory_space<vmem>>, vector<1x16xi32>,
    %get3A_173 = vector.shape_cast %get3A_172 : vector<1x16xi32> to vector<16xi32>
    %swap3A_174 = arith.constant 64 : index
    %swap3A_175 = tpu.vector_load %arg8[%swap3A_174] {strides = array<i32>} : memref<128xi32, #tpu.memory_space<vmem>>, vector<16xi32>,
    %swap3A_176 = vector.shape_cast %swap3A_175 : vector<16xi32> to vector<16xi32>
    %swap3A_177 = vector.shape_cast %get3A_173 : vector<16xi32> to vector<16xi32>
    tpu.vector_store %arg8[%swap3A_174], %swap3A_177 {strides = array<i32>} : memref<128xi32, #tpu.memory_space<vmem>>, vector<16xi32>,
    %get3A_178 = arith.constant 0 : i32
    %get3A_179 = arith.index_cast %get3A_178 : i32 to index
    %get3A_180 = arith.constant 80 : index
    %get3A_181 = tpu.vector_load %arg7[%get3A_179, %get3A_180] {strides = array<i32>} : memref<40x128xi32, #tpu.memory_space<vmem>>, vector<1x16xi32>,
    %get3A_182 = vector.shape_cast %get3A_181 : vector<1x16xi32> to vector<16xi32>
    %swap3A_183 = arith.constant 80 : index
    %swap3A_184 = tpu.vector_load %arg8[%swap3A_183] {strides = array<i32>} : memref<128xi32, #tpu.memory_space<vmem>>, vector<16xi32>,
    %swap3A_185 = vector.shape_cast %swap3A_184 : vector<16xi32> to vector<16xi32>
    %swap3A_186 = vector.shape_cast %get3A_182 : vector<16xi32> to vector<16xi32>
    tpu.vector_store %arg8[%swap3A_183], %swap3A_186 {strides = array<i32>} : memref<128xi32, #tpu.memory_space<vmem>>, vector<16xi32>,
    %get3A_187 = arith.constant 0 : i32
    %get3A_188 = arith.index_cast %get3A_187 : i32 to index
    %get3A_189 = arith.constant 96 : index
    %get3A_190 = tpu.vector_load %arg7[%get3A_188, %get3A_189] {strides = array<i32>} : memref<40x128xi32, #tpu.memory_space<vmem>>, vector<1x16xi32>,
    %get3A_191 = vector.shape_cast %get3A_190 : vector<1x16xi32> to vector<16xi32>
    %swap3A_192 = arith.constant 96 : index
    %swap3A_193 = tpu.vector_load %arg8[%swap3A_192] {strides = array<i32>} : memref<128xi32, #tpu.memory_space<vmem>>, vector<16xi32>,
    %swap3A_194 = vector.shape_cast %swap3A_193 : vector<16xi32> to vector<16xi32>
    %swap3A_195 = vector.shape_cast %get3A_191 : vector<16xi32> to vector<16xi32>
    tpu.vector_store %arg8[%swap3A_192], %swap3A_195 {strides = array<i32>} : memref<128xi32, #tpu.memory_space<vmem>>, vector<16xi32>,
    %get3A_196 = arith.constant 0 : i32
    %get3A_197 = arith.index_cast %get3A_196 : i32 to index
    %get3A_198 = arith.constant 112 : index
    %get3A_199 = tpu.vector_load %arg7[%get3A_197, %get3A_198] {strides = array<i32>} : memref<40x128xi32, #tpu.memory_space<vmem>>, vector<1x16xi32>,
    %get3A_200 = vector.shape_cast %get3A_199 : vector<1x16xi32> to vector<16xi32>
    %swap3A_201 = arith.constant 112 : index
    %swap3A_202 = tpu.vector_load %arg8[%swap3A_201] {strides = array<i32>} : memref<128xi32, #tpu.memory_space<vmem>>, vector<16xi32>,
    %swap3A_203 = vector.shape_cast %swap3A_202 : vector<16xi32> to vector<16xi32>
    %swap3A_204 = vector.shape_cast %get3A_200 : vector<16xi32> to vector<16xi32>
    tpu.vector_store %arg8[%swap3A_201], %swap3A_204 {strides = array<i32>} : memref<128xi32, #tpu.memory_space<vmem>>, vector<16xi32>,
    %scan3A_205 = arith.constant 0 : i32
    %scan3A_206 = arith.constant 0 : i32
    %scan3A_207 = arith.constant 20 : i32
    %scan3A_208 = arith.addi %scan3A_206, %scan3A_207 : i32
    %scan3A_209 = arith.constant 1 : i32
    scf.for %scan3A_368 = %scan3A_206 to %scan3A_208 step %scan3A_209  : i32 {
      %mul3A_369 = arith.constant 2 : i32
      %mul3A_370 = arith.muli %mul3A_369, %scan3A_368 : i32
      %add3A_371 = arith.constant 1 : i32
      %add3A_372 = arith.addi %mul3A_370, %add3A_371 : i32
      %dma_start3A_373 = arith.constant 0 : i32
      %dma_start3A_374 = tpu.memref_slice %arg6[%add3A_372, %dma_start3A_373] : memref<40x128xi32, #tpu.memory_space<vmem>> -> memref<1x128xi32, #tpu.memory_space<vmem>>
      %dma_start3A_375 = tpu.memref_squeeze %dma_start3A_374 : memref<1x128xi32, #tpu.memory_space<vmem>> -> memref<128xi32, #tpu.memory_space<vmem>>
      %dma_start3A_376 = arith.constant 0 : i32
      %dma_start3A_377 = arith.constant 0 : i32
      %dma_start3A_378 = tpu.memref_slice %arg2[%dma_start3A_376, %dma_start3A_377] : memref<10000x128xf32, #tpu.memory_space<hbm>> -> memref<10000x128xf32, #tpu.memory_space<hbm>>
      tpu.enqueue_indirect_dma source(%dma_start3A_378 : memref<10000x128xf32, #tpu.memory_space<hbm>>) target(%arg11 : memref<128x128xf32, #tpu.memory_space<vmem>>) offsets(%dma_start3A_375 : memref<128xi32, #tpu.memory_space<vmem>>) semaphore(%arg14 : memref<!tpu.dma_semaphore, #tpu.memory_space<semaphore_mem>>)
      %add3A_379 = arith.constant 1 : i32
      %add3A_380 = arith.addi %mul3A_370, %add3A_379 : i32
      %get3A_381 = arith.index_cast %add3A_380 : i32 to index
      %get3A_382 = arith.constant 0 : index
      %get3A_383 = tpu.vector_load %arg7[%get3A_381, %get3A_382] {strides = array<i32>} : memref<40x128xi32, #tpu.memory_space<vmem>>, vector<1x16xi32>,
      %get3A_384 = vector.shape_cast %get3A_383 : vector<1x16xi32> to vector<16xi32>
      %swap3A_385 = arith.constant 0 : index
      %swap3A_386 = tpu.vector_load %arg9[%swap3A_385] {strides = array<i32>} : memref<128xi32, #tpu.memory_space<vmem>>, vector<16xi32>,
      %swap3A_387 = vector.shape_cast %swap3A_386 : vector<16xi32> to vector<16xi32>
      %swap3A_388 = vector.shape_cast %get3A_384 : vector<16xi32> to vector<16xi32>
      tpu.vector_store %arg9[%swap3A_385], %swap3A_388 {strides = array<i32>} : memref<128xi32, #tpu.memory_space<vmem>>, vector<16xi32>,
      %get3A_389 = arith.index_cast %add3A_380 : i32 to index
      %get3A_390 = arith.constant 16 : index
      %get3A_391 = tpu.vector_load %arg7[%get3A_389, %get3A_390] {strides = array<i32>} : memref<40x128xi32, #tpu.memory_space<vmem>>, vector<1x16xi32>,
      %get3A_392 = vector.shape_cast %get3A_391 : vector<1x16xi32> to vector<16xi32>
      %swap3A_393 = arith.constant 16 : index
      %swap3A_394 = tpu.vector_load %arg9[%swap3A_393] {strides = array<i32>} : memref<128xi32, #tpu.memory_space<vmem>>, vector<16xi32>,
      %swap3A_395 = vector.shape_cast %swap3A_394 : vector<16xi32> to vector<16xi32>
      %swap3A_396 = vector.shape_cast %get3A_392 : vector<16xi32> to vector<16xi32>
      tpu.vector_store %arg9[%swap3A_393], %swap3A_396 {strides = array<i32>} : memref<128xi32, #tpu.memory_space<vmem>>, vector<16xi32>,
      %get3A_397 = arith.index_cast %add3A_380 : i32 to index
      %get3A_398 = arith.constant 32 : index
      %get3A_399 = tpu.vector_load %arg7[%get3A_397, %get3A_398] {strides = array<i32>} : memref<40x128xi32, #tpu.memory_space<vmem>>, vector<1x16xi32>,
      %get3A_400 = vector.shape_cast %get3A_399 : vector<1x16xi32> to vector<16xi32>
      %swap3A_401 = arith.constant 32 : index
      %swap3A_402 = tpu.vector_load %arg9[%swap3A_401] {strides = array<i32>} : memref<128xi32, #tpu.memory_space<vmem>>, vector<16xi32>,
      %swap3A_403 = vector.shape_cast %swap3A_402 : vector<16xi32> to vector<16xi32>
      %swap3A_404 = vector.shape_cast %get3A_400 : vector<16xi32> to vector<16xi32>
      tpu.vector_store %arg9[%swap3A_401], %swap3A_404 {strides = array<i32>} : memref<128xi32, #tpu.memory_space<vmem>>, vector<16xi32>,
      %get3A_405 = arith.index_cast %add3A_380 : i32 to index
      %get3A_406 = arith.constant 48 : index
      %get3A_407 = tpu.vector_load %arg7[%get3A_405, %get3A_406] {strides = array<i32>} : memref<40x128xi32, #tpu.memory_space<vmem>>, vector<1x16xi32>,
      %get3A_408 = vector.shape_cast %get3A_407 : vector<1x16xi32> to vector<16xi32>
      %swap3A_409 = arith.constant 48 : index
      %swap3A_410 = tpu.vector_load %arg9[%swap3A_409] {strides = array<i32>} : memref<128xi32, #tpu.memory_space<vmem>>, vector<16xi32>,
      %swap3A_411 = vector.shape_cast %swap3A_410 : vector<16xi32> to vector<16xi32>
      %swap3A_412 = vector.shape_cast %get3A_408 : vector<16xi32> to vector<16xi32>
      tpu.vector_store %arg9[%swap3A_409], %swap3A_412 {strides = array<i32>} : memref<128xi32, #tpu.memory_space<vmem>>, vector<16xi32>,
      %get3A_413 = arith.index_cast %add3A_380 : i32 to index
      %get3A_414 = arith.constant 64 : index
      %get3A_415 = tpu.vector_load %arg7[%get3A_413, %get3A_414] {strides = array<i32>} : memref<40x128xi32, #tpu.memory_space<vmem>>, vector<1x16xi32>,
      %get3A_416 = vector.shape_cast %get3A_415 : vector<1x16xi32> to vector<16xi32>
      %swap3A_417 = arith.constant 64 : index
      %swap3A_418 = tpu.vector_load %arg9[%swap3A_417] {strides = array<i32>} : memref<128xi32, #tpu.memory_space<vmem>>, vector<16xi32>,
      %swap3A_419 = vector.shape_cast %swap3A_418 : vector<16xi32> to vector<16xi32>
      %swap3A_420 = vector.shape_cast %get3A_416 : vector<16xi32> to vector<16xi32>
      tpu.vector_store %arg9[%swap3A_417], %swap3A_420 {strides = array<i32>} : memref<128xi32, #tpu.memory_space<vmem>>, vector<16xi32>,
      %get3A_421 = arith.index_cast %add3A_380 : i32 to index
      %get3A_422 = arith.constant 80 : index
      %get3A_423 = tpu.vector_load %arg7[%get3A_421, %get3A_422] {strides = array<i32>} : memref<40x128xi32, #tpu.memory_space<vmem>>, vector<1x16xi32>,
      %get3A_424 = vector.shape_cast %get3A_423 : vector<1x16xi32> to vector<16xi32>
      %swap3A_425 = arith.constant 80 : index
      %swap3A_426 = tpu.vector_load %arg9[%swap3A_425] {strides = array<i32>} : memref<128xi32, #tpu.memory_space<vmem>>, vector<16xi32>,
      %swap3A_427 = vector.shape_cast %swap3A_426 : vector<16xi32> to vector<16xi32>
      %swap3A_428 = vector.shape_cast %get3A_424 : vector<16xi32> to vector<16xi32>
      tpu.vector_store %arg9[%swap3A_425], %swap3A_428 {strides = array<i32>} : memref<128xi32, #tpu.memory_space<vmem>>, vector<16xi32>,
      %get3A_429 = arith.index_cast %add3A_380 : i32 to index
      %get3A_430 = arith.constant 96 : index
      %get3A_431 = tpu.vector_load %arg7[%get3A_429, %get3A_430] {strides = array<i32>} : memref<40x128xi32, #tpu.memory_space<vmem>>, vector<1x16xi32>,
      %get3A_432 = vector.shape_cast %get3A_431 : vector<1x16xi32> to vector<16xi32>
      %swap3A_433 = arith.constant 96 : index
      %swap3A_434 = tpu.vector_load %arg9[%swap3A_433] {strides = array<i32>} : memref<128xi32, #tpu.memory_space<vmem>>, vector<16xi32>,
      %swap3A_435 = vector.shape_cast %swap3A_434 : vector<16xi32> to vector<16xi32>
      %swap3A_436 = vector.shape_cast %get3A_432 : vector<16xi32> to vector<16xi32>
      tpu.vector_store %arg9[%swap3A_433], %swap3A_436 {strides = array<i32>} : memref<128xi32, #tpu.memory_space<vmem>>, vector<16xi32>,
      %get3A_437 = arith.index_cast %add3A_380 : i32 to index
      %get3A_438 = arith.constant 112 : index
      %get3A_439 = tpu.vector_load %arg7[%get3A_437, %get3A_438] {strides = array<i32>} : memref<40x128xi32, #tpu.memory_space<vmem>>, vector<1x16xi32>,
      %get3A_440 = vector.shape_cast %get3A_439 : vector<1x16xi32> to vector<16xi32>
      %swap3A_441 = arith.constant 112 : index
      %swap3A_442 = tpu.vector_load %arg9[%swap3A_441] {strides = array<i32>} : memref<128xi32, #tpu.memory_space<vmem>>, vector<16xi32>,
      %swap3A_443 = vector.shape_cast %swap3A_442 : vector<16xi32> to vector<16xi32>
      %swap3A_444 = vector.shape_cast %get3A_440 : vector<16xi32> to vector<16xi32>
      tpu.vector_store %arg9[%swap3A_441], %swap3A_444 {strides = array<i32>} : memref<128xi32, #tpu.memory_space<vmem>>, vector<16xi32>,
      %dma_wait3A_445 = arith.constant 0 : i32
      %dma_wait3A_446 = tpu.memref_slice %arg6[%mul3A_370, %dma_wait3A_445] : memref<40x128xi32, #tpu.memory_space<vmem>> -> memref<1x128xi32, #tpu.memory_space<vmem>>
      %dma_wait3A_447 = tpu.memref_squeeze %dma_wait3A_446 : memref<1x128xi32, #tpu.memory_space<vmem>> -> memref<128xi32, #tpu.memory_space<vmem>>
      %dma_wait3A_448 = arith.constant 0 : i32
      %dma_wait3A_449 = arith.constant 0 : i32
      %dma_wait3A_450 = tpu.memref_slice %arg2[%dma_wait3A_448, %dma_wait3A_449] : memref<10000x128xf32, #tpu.memory_space<hbm>> -> memref<10000x128xf32, #tpu.memory_space<hbm>>
      tpu.wait_indirect_dma semaphore(%arg13 : memref<!tpu.dma_semaphore, #tpu.memory_space<semaphore_mem>>) src(%dma_wait3A_450 : memref<10000x128xf32, #tpu.memory_space<hbm>>) dst(%arg10 : memref<128x128xf32, #tpu.memory_space<vmem>>)
      "tpu.region"() ({
        %run_scoped3A = tpu.sem_alloc : memref<!tpu.dma_semaphore, #tpu.memory_space<semaphore_mem>>
        %dma_start3A_532 = arith.constant 0 : i32
        %dma_start3A_533 = arith.constant 0 : i32
        %dma_start3A_534 = tpu.memref_slice %arg12[%dma_start3A_532, %dma_start3A_533] : memref<10008x128xf32, #tpu.memory_space<vmem_shared>> -> memref<10008x128xf32, #tpu.memory_space<vmem_shared>>
        tpu.enqueue_indirect_dma source(%arg10 : memref<128x128xf32, #tpu.memory_space<vmem>>) target(%dma_start3A_534 : memref<10008x128xf32, #tpu.memory_space<vmem_shared>>) offsets(%arg8 : memref<128xi32, #tpu.memory_space<vmem>>) semaphore(%run_scoped3A : memref<!tpu.dma_semaphore, #tpu.memory_space<semaphore_mem>>) {add = true}
        %dma_wait3A_535 = arith.constant 0 : i32
        %dma_wait3A_536 = arith.constant 0 : i32
        %dma_wait3A_537 = tpu.memref_slice %arg12[%dma_wait3A_535, %dma_wait3A_536] : memref<10008x128xf32, #tpu.memory_space<vmem_shared>> -> memref<10008x128xf32, #tpu.memory_space<vmem_shared>>
        tpu.wait_indirect_dma semaphore(%run_scoped3A : memref<!tpu.dma_semaphore, #tpu.memory_space<semaphore_mem>>) src(%arg10 : memref<128x128xf32, #tpu.memory_space<vmem>>) dst(%dma_wait3A_537 : memref<10008x128xf32, #tpu.memory_space<vmem_shared>>)
        tpu.yield
      }) : () -> ()
      %add3A_451 = arith.constant 2 : i32
      %add3A_452 = arith.addi %mul3A_370, %add3A_451 : i32
      %min3A = arith.constant 39 : i32
      %min3A_453 = arith.minsi %add3A_452, %min3A : i32
      %dma_start3A_454 = arith.constant 0 : i32
      %dma_start3A_455 = tpu.memref_slice %arg6[%min3A_453, %dma_start3A_454] : memref<40x128xi32, #tpu.memory_space<vmem>> -> memref<1x128xi32, #tpu.memory_space<vmem>>
      %dma_start3A_456 = tpu.memref_squeeze %dma_start3A_455 : memref<1x128xi32, #tpu.memory_space<vmem>> -> memref<128xi32, #tpu.memory_space<vmem>>
      %dma_start3A_457 = arith.constant 0 : i32
      %dma_start3A_458 = arith.constant 0 : i32
      %dma_start3A_459 = tpu.memref_slice %arg2[%dma_start3A_457, %dma_start3A_458] : memref<10000x128xf32, #tpu.memory_space<hbm>> -> memref<10000x128xf32, #tpu.memory_space<hbm>>
      tpu.enqueue_indirect_dma source(%dma_start3A_459 : memref<10000x128xf32, #tpu.memory_space<hbm>>) target(%arg10 : memref<128x128xf32, #tpu.memory_space<vmem>>) offsets(%dma_start3A_456 : memref<128xi32, #tpu.memory_space<vmem>>) semaphore(%arg13 : memref<!tpu.dma_semaphore, #tpu.memory_space<semaphore_mem>>)
      %get3A_460 = arith.index_cast %min3A_453 : i32 to index
      %get3A_461 = arith.constant 0 : index
      %get3A_462 = tpu.vector_load %arg7[%get3A_460, %get3A_461] {strides = array<i32>} : memref<40x128xi32, #tpu.memory_space<vmem>>, vector<1x16xi32>,
      %get3A_463 = vector.shape_cast %get3A_462 : vector<1x16xi32> to vector<16xi32>
      %swap3A_464 = arith.constant 0 : index
      %swap3A_465 = tpu.vector_load %arg8[%swap3A_464] {strides = array<i32>} : memref<128xi32, #tpu.memory_space<vmem>>, vector<16xi32>,
      %swap3A_466 = vector.shape_cast %swap3A_465 : vector<16xi32> to vector<16xi32>
      %swap3A_467 = vector.shape_cast %get3A_463 : vector<16xi32> to vector<16xi32>
      tpu.vector_store %arg8[%swap3A_464], %swap3A_467 {strides = array<i32>} : memref<128xi32, #tpu.memory_space<vmem>>, vector<16xi32>,
      %get3A_468 = arith.index_cast %min3A_453 : i32 to index
      %get3A_469 = arith.constant 16 : index
      %get3A_470 = tpu.vector_load %arg7[%get3A_468, %get3A_469] {strides = array<i32>} : memref<40x128xi32, #tpu.memory_space<vmem>>, vector<1x16xi32>,
      %get3A_471 = vector.shape_cast %get3A_470 : vector<1x16xi32> to vector<16xi32>
      %swap3A_472 = arith.constant 16 : index
      %swap3A_473 = tpu.vector_load %arg8[%swap3A_472] {strides = array<i32>} : memref<128xi32, #tpu.memory_space<vmem>>, vector<16xi32>,
      %swap3A_474 = vector.shape_cast %swap3A_473 : vector<16xi32> to vector<16xi32>
      %swap3A_475 = vector.shape_cast %get3A_471 : vector<16xi32> to vector<16xi32>
      tpu.vector_store %arg8[%swap3A_472], %swap3A_475 {strides = array<i32>} : memref<128xi32, #tpu.memory_space<vmem>>, vector<16xi32>,
      %get3A_476 = arith.index_cast %min3A_453 : i32 to index
      %get3A_477 = arith.constant 32 : index
      %get3A_478 = tpu.vector_load %arg7[%get3A_476, %get3A_477] {strides = array<i32>} : memref<40x128xi32, #tpu.memory_space<vmem>>, vector<1x16xi32>,
      %get3A_479 = vector.shape_cast %get3A_478 : vector<1x16xi32> to vector<16xi32>
      %swap3A_480 = arith.constant 32 : index
      %swap3A_481 = tpu.vector_load %arg8[%swap3A_480] {strides = array<i32>} : memref<128xi32, #tpu.memory_space<vmem>>, vector<16xi32>,
      %swap3A_482 = vector.shape_cast %swap3A_481 : vector<16xi32> to vector<16xi32>
      %swap3A_483 = vector.shape_cast %get3A_479 : vector<16xi32> to vector<16xi32>
      tpu.vector_store %arg8[%swap3A_480], %swap3A_483 {strides = array<i32>} : memref<128xi32, #tpu.memory_space<vmem>>, vector<16xi32>,
      %get3A_484 = arith.index_cast %min3A_453 : i32 to index
      %get3A_485 = arith.constant 48 : index
      %get3A_486 = tpu.vector_load %arg7[%get3A_484, %get3A_485] {strides = array<i32>} : memref<40x128xi32, #tpu.memory_space<vmem>>, vector<1x16xi32>,
      %get3A_487 = vector.shape_cast %get3A_486 : vector<1x16xi32> to vector<16xi32>
      %swap3A_488 = arith.constant 48 : index
      %swap3A_489 = tpu.vector_load %arg8[%swap3A_488] {strides = array<i32>} : memref<128xi32, #tpu.memory_space<vmem>>, vector<16xi32>,
      %swap3A_490 = vector.shape_cast %swap3A_489 : vector<16xi32> to vector<16xi32>
      %swap3A_491 = vector.shape_cast %get3A_487 : vector<16xi32> to vector<16xi32>
      tpu.vector_store %arg8[%swap3A_488], %swap3A_491 {strides = array<i32>} : memref<128xi32, #tpu.memory_space<vmem>>, vector<16xi32>,
      %get3A_492 = arith.index_cast %min3A_453 : i32 to index
      %get3A_493 = arith.constant 64 : index
      %get3A_494 = tpu.vector_load %arg7[%get3A_492, %get3A_493] {strides = array<i32>} : memref<40x128xi32, #tpu.memory_space<vmem>>, vector<1x16xi32>,
      %get3A_495 = vector.shape_cast %get3A_494 : vector<1x16xi32> to vector<16xi32>
      %swap3A_496 = arith.constant 64 : index
      %swap3A_497 = tpu.vector_load %arg8[%swap3A_496] {strides = array<i32>} : memref<128xi32, #tpu.memory_space<vmem>>, vector<16xi32>,
      %swap3A_498 = vector.shape_cast %swap3A_497 : vector<16xi32> to vector<16xi32>
      %swap3A_499 = vector.shape_cast %get3A_495 : vector<16xi32> to vector<16xi32>
      tpu.vector_store %arg8[%swap3A_496], %swap3A_499 {strides = array<i32>} : memref<128xi32, #tpu.memory_space<vmem>>, vector<16xi32>,
      %get3A_500 = arith.index_cast %min3A_453 : i32 to index
      %get3A_501 = arith.constant 80 : index
      %get3A_502 = tpu.vector_load %arg7[%get3A_500, %get3A_501] {strides = array<i32>} : memref<40x128xi32, #tpu.memory_space<vmem>>, vector<1x16xi32>,
      %get3A_503 = vector.shape_cast %get3A_502 : vector<1x16xi32> to vector<16xi32>
      %swap3A_504 = arith.constant 80 : index
      %swap3A_505 = tpu.vector_load %arg8[%swap3A_504] {strides = array<i32>} : memref<128xi32, #tpu.memory_space<vmem>>, vector<16xi32>,
      %swap3A_506 = vector.shape_cast %swap3A_505 : vector<16xi32> to vector<16xi32>
      %swap3A_507 = vector.shape_cast %get3A_503 : vector<16xi32> to vector<16xi32>
      tpu.vector_store %arg8[%swap3A_504], %swap3A_507 {strides = array<i32>} : memref<128xi32, #tpu.memory_space<vmem>>, vector<16xi32>,
      %get3A_508 = arith.index_cast %min3A_453 : i32 to index
      %get3A_509 = arith.constant 96 : index
      %get3A_510 = tpu.vector_load %arg7[%get3A_508, %get3A_509] {strides = array<i32>} : memref<40x128xi32, #tpu.memory_space<vmem>>, vector<1x16xi32>,
      %get3A_511 = vector.shape_cast %get3A_510 : vector<1x16xi32> to vector<16xi32>
      %swap3A_512 = arith.constant 96 : index
      %swap3A_513 = tpu.vector_load %arg8[%swap3A_512] {strides = array<i32>} : memref<128xi32, #tpu.memory_space<vmem>>, vector<16xi32>,
      %swap3A_514 = vector.shape_cast %swap3A_513 : vector<16xi32> to vector<16xi32>
      %swap3A_515 = vector.shape_cast %get3A_511 : vector<16xi32> to vector<16xi32>
      tpu.vector_store %arg8[%swap3A_512], %swap3A_515 {strides = array<i32>} : memref<128xi32, #tpu.memory_space<vmem>>, vector<16xi32>,
      %get3A_516 = arith.index_cast %min3A_453 : i32 to index
      %get3A_517 = arith.constant 112 : index
      %get3A_518 = tpu.vector_load %arg7[%get3A_516, %get3A_517] {strides = array<i32>} : memref<40x128xi32, #tpu.memory_space<vmem>>, vector<1x16xi32>,
      %get3A_519 = vector.shape_cast %get3A_518 : vector<1x16xi32> to vector<16xi32>
      %swap3A_520 = arith.constant 112 : index
      %swap3A_521 = tpu.vector_load %arg8[%swap3A_520] {strides = array<i32>} : memref<128xi32, #tpu.memory_space<vmem>>, vector<16xi32>,
      %swap3A_522 = vector.shape_cast %swap3A_521 : vector<16xi32> to vector<16xi32>
      %swap3A_523 = vector.shape_cast %get3A_519 : vector<16xi32> to vector<16xi32>
      tpu.vector_store %arg8[%swap3A_520], %swap3A_523 {strides = array<i32>} : memref<128xi32, #tpu.memory_space<vmem>>, vector<16xi32>,
      %add3A_524 = arith.constant 1 : i32
      %add3A_525 = arith.addi %mul3A_370, %add3A_524 : i32
      %dma_wait3A_526 = arith.constant 0 : i32
      %dma_wait3A_527 = tpu.memref_slice %arg6[%add3A_525, %dma_wait3A_526] : memref<40x128xi32, #tpu.memory_space<vmem>> -> memref<1x128xi32, #tpu.memory_space<vmem>>
      %dma_wait3A_528 = tpu.memref_squeeze %dma_wait3A_527 : memref<1x128xi32, #tpu.memory_space<vmem>> -> memref<128xi32, #tpu.memory_space<vmem>>
      %dma_wait3A_529 = arith.constant 0 : i32
      %dma_wait3A_530 = arith.constant 0 : i32
      %dma_wait3A_531 = tpu.memref_slice %arg2[%dma_wait3A_529, %dma_wait3A_530] : memref<10000x128xf32, #tpu.memory_space<hbm>> -> memref<10000x128xf32, #tpu.memory_space<hbm>>
      tpu.wait_indirect_dma semaphore(%arg14 : memref<!tpu.dma_semaphore, #tpu.memory_space<semaphore_mem>>) src(%dma_wait3A_531 : memref<10000x128xf32, #tpu.memory_space<hbm>>) dst(%arg11 : memref<128x128xf32, #tpu.memory_space<vmem>>)
      "tpu.region"() ({
        %run_scoped3A = tpu.sem_alloc : memref<!tpu.dma_semaphore, #tpu.memory_space<semaphore_mem>>
        %dma_start3A_532 = arith.constant 0 : i32
        %dma_start3A_533 = arith.constant 0 : i32
        %dma_start3A_534 = tpu.memref_slice %arg12[%dma_start3A_532, %dma_start3A_533] : memref<10008x128xf32, #tpu.memory_space<vmem_shared>> -> memref<10008x128xf32, #tpu.memory_space<vmem_shared>>
        tpu.enqueue_indirect_dma source(%arg11 : memref<128x128xf32, #tpu.memory_space<vmem>>) target(%dma_start3A_534 : memref<10008x128xf32, #tpu.memory_space<vmem_shared>>) offsets(%arg9 : memref<128xi32, #tpu.memory_space<vmem>>) semaphore(%run_scoped3A : memref<!tpu.dma_semaphore, #tpu.memory_space<semaphore_mem>>) {add = true}
        %dma_wait3A_535 = arith.constant 0 : i32
        %dma_wait3A_536 = arith.constant 0 : i32
        %dma_wait3A_537 = tpu.memref_slice %arg12[%dma_wait3A_535, %dma_wait3A_536] : memref<10008x128xf32, #tpu.memory_space<vmem_shared>> -> memref<10008x128xf32, #tpu.memory_space<vmem_shared>>
        tpu.wait_indirect_dma semaphore(%run_scoped3A : memref<!tpu.dma_semaphore, #tpu.memory_space<semaphore_mem>>) src(%arg11 : memref<128x128xf32, #tpu.memory_space<vmem>>) dst(%dma_wait3A_537 : memref<10008x128xf32, #tpu.memory_space<vmem_shared>>)
        tpu.yield
      }) : () -> ()
    }
    %scan3A_210 = arith.constant 20 : i32
    %dma_wait3A_211 = arith.constant 0 : i32
    %dma_wait3A_212 = arith.constant 0 : i32
    %dma_wait3A_213 = tpu.memref_slice %arg6[%dma_wait3A_211, %dma_wait3A_212] : memref<40x128xi32, #tpu.memory_space<vmem>> -> memref<1x128xi32, #tpu.memory_space<vmem>>
    %dma_wait3A_214 = tpu.memref_squeeze %dma_wait3A_213 : memref<1x128xi32, #tpu.memory_space<vmem>> -> memref<128xi32, #tpu.memory_space<vmem>>
    %dma_wait3A_215 = arith.constant 0 : i32
    %dma_wait3A_216 = arith.constant 0 : i32
    %dma_wait3A_217 = tpu.memref_slice %arg2[%dma_wait3A_215, %dma_wait3A_216] : memref<10000x128xf32, #tpu.memory_space<hbm>> -> memref<10000x128xf32, #tpu.memory_space<hbm>>
    tpu.wait_indirect_dma semaphore(%arg13 : memref<!tpu.dma_semaphore, #tpu.memory_space<semaphore_mem>>) src(%dma_wait3A_217 : memref<10000x128xf32, #tpu.memory_space<hbm>>) dst(%arg10 : memref<128x128xf32, #tpu.memory_space<vmem>>)
    %add3A_218 = arith.constant 40 : i32
    %add3A_219 = arith.addi %multiple_of3A, %add3A_218 : i32
    %dma_start3A_220 = arith.constant 0 : i32
    %dma_start3A_221 = tpu.memref_slice %arg3[%add3A_219, %dma_start3A_220] : memref<2504x128xi32, #tpu.memory_space<hbm>> -> memref<40x128xi32, #tpu.memory_space<hbm>>
    %dma_start3A_222 = arith.constant 0 : i32
    %dma_start3A_223 = tpu.memref_slice %arg3[%add3A_219, %dma_start3A_222] : memref<2504x128xi32, #tpu.memory_space<hbm>> -> memref<40x128xi32, #tpu.memory_space<hbm>>
    tpu.enqueue_dma source(%dma_start3A_223 : memref<40x128xi32, #tpu.memory_space<hbm>>) target(%arg6 : memref<40x128xi32, #tpu.memory_space<vmem>>) target_semaphore(%arg15 : memref<!tpu.dma_semaphore, #tpu.memory_space<semaphore_mem>>)
    %add3A_224 = arith.constant 40 : i32
    %add3A_225 = arith.addi %multiple_of3A, %add3A_224 : i32
    %dma_start3A_226 = arith.constant 0 : i32
    %dma_start3A_227 = tpu.memref_slice %arg4[%add3A_225, %dma_start3A_226] : memref<2504x128xi32, #tpu.memory_space<hbm>> -> memref<40x128xi32, #tpu.memory_space<hbm>>
    %dma_start3A_228 = arith.constant 0 : i32
    %dma_start3A_229 = tpu.memref_slice %arg4[%add3A_225, %dma_start3A_228] : memref<2504x128xi32, #tpu.memory_space<hbm>> -> memref<40x128xi32, #tpu.memory_space<hbm>>
    tpu.enqueue_dma source(%dma_start3A_229 : memref<40x128xi32, #tpu.memory_space<hbm>>) target(%arg7 : memref<40x128xi32, #tpu.memory_space<vmem>>) target_semaphore(%arg16 : memref<!tpu.dma_semaphore, #tpu.memory_space<semaphore_mem>>)
    %add3A_230 = arith.constant 40 : i32
    %add3A_231 = arith.addi %multiple_of3A, %add3A_230 : i32
    %dma_wait3A_232 = arith.constant 0 : i32
    %dma_wait3A_233 = tpu.memref_slice %arg3[%add3A_231, %dma_wait3A_232] : memref<2504x128xi32, #tpu.memory_space<hbm>> -> memref<40x128xi32, #tpu.memory_space<hbm>>
    %dma_wait3A_234 = arith.constant 0 : i32
    %dma_wait3A_235 = tpu.memref_slice %arg3[%add3A_231, %dma_wait3A_234] : memref<2504x128xi32, #tpu.memory_space<hbm>> -> memref<40x128xi32, #tpu.memory_space<hbm>>
    tpu.wait_dma2 semaphore(%arg15 : memref<!tpu.dma_semaphore, #tpu.memory_space<semaphore_mem>>) src(%dma_wait3A_235 : memref<40x128xi32, #tpu.memory_space<hbm>>) dst(%arg6 : memref<40x128xi32, #tpu.memory_space<vmem>>)
    %add3A_236 = arith.constant 40 : i32
    %add3A_237 = arith.addi %multiple_of3A, %add3A_236 : i32
    %dma_wait3A_238 = arith.constant 0 : i32
    %dma_wait3A_239 = tpu.memref_slice %arg4[%add3A_237, %dma_wait3A_238] : memref<2504x128xi32, #tpu.memory_space<hbm>> -> memref<40x128xi32, #tpu.memory_space<hbm>>
    %dma_wait3A_240 = arith.constant 0 : i32
    %dma_wait3A_241 = tpu.memref_slice %arg4[%add3A_237, %dma_wait3A_240] : memref<2504x128xi32, #tpu.memory_space<hbm>> -> memref<40x128xi32, #tpu.memory_space<hbm>>
    tpu.wait_dma2 semaphore(%arg16 : memref<!tpu.dma_semaphore, #tpu.memory_space<semaphore_mem>>) src(%dma_wait3A_241 : memref<40x128xi32, #tpu.memory_space<hbm>>) dst(%arg7 : memref<40x128xi32, #tpu.memory_space<vmem>>)
    %sub3A_242 = arith.constant 40 : i32
    %sub3A_243 = arith.subi %select_n3A_12, %sub3A_242 : i32
    %dma_start3A_244 = arith.constant 0 : i32
    %dma_start3A_245 = arith.constant 0 : i32
    %dma_start3A_246 = tpu.memref_slice %arg6[%dma_start3A_244, %dma_start3A_245] : memref<40x128xi32, #tpu.memory_space<vmem>> -> memref<1x128xi32, #tpu.memory_space<vmem>>
    %dma_start3A_247 = tpu.memref_squeeze %dma_start3A_246 : memref<1x128xi32, #tpu.memory_space<vmem>> -> memref<128xi32, #tpu.memory_space<vmem>>
    %dma_start3A_248 = arith.constant 0 : i32
    %dma_start3A_249 = arith.constant 0 : i32
    %dma_start3A_250 = tpu.memref_slice %arg2[%dma_start3A_248, %dma_start3A_249] : memref<10000x128xf32, #tpu.memory_space<hbm>> -> memref<10000x128xf32, #tpu.memory_space<hbm>>
    tpu.enqueue_indirect_dma source(%dma_start3A_250 : memref<10000x128xf32, #tpu.memory_space<hbm>>) target(%arg10 : memref<128x128xf32, #tpu.memory_space<vmem>>) offsets(%dma_start3A_247 : memref<128xi32, #tpu.memory_space<vmem>>) semaphore(%arg13 : memref<!tpu.dma_semaphore, #tpu.memory_space<semaphore_mem>>)
    %get3A_251 = arith.constant 0 : i32
    %get3A_252 = arith.index_cast %get3A_251 : i32 to index
    %get3A_253 = arith.constant 0 : index
    %get3A_254 = tpu.vector_load %arg7[%get3A_252, %get3A_253] {strides = array<i32>} : memref<40x128xi32, #tpu.memory_space<vmem>>, vector<1x16xi32>,
    %get3A_255 = vector.shape_cast %get3A_254 : vector<1x16xi32> to vector<16xi32>
    %swap3A_256 = arith.constant 0 : index
    %swap3A_257 = tpu.vector_load %arg8[%swap3A_256] {strides = array<i32>} : memref<128xi32, #tpu.memory_space<vmem>>, vector<16xi32>,
    %swap3A_258 = vector.shape_cast %swap3A_257 : vector<16xi32> to vector<16xi32>
    %swap3A_259 = vector.shape_cast %get3A_255 : vector<16xi32> to vector<16xi32>
    tpu.vector_store %arg8[%swap3A_256], %swap3A_259 {strides = array<i32>} : memref<128xi32, #tpu.memory_space<vmem>>, vector<16xi32>,
    %get3A_260 = arith.constant 0 : i32
    %get3A_261 = arith.index_cast %get3A_260 : i32 to index
    %get3A_262 = arith.constant 16 : index
    %get3A_263 = tpu.vector_load %arg7[%get3A_261, %get3A_262] {strides = array<i32>} : memref<40x128xi32, #tpu.memory_space<vmem>>, vector<1x16xi32>,
    %get3A_264 = vector.shape_cast %get3A_263 : vector<1x16xi32> to vector<16xi32>
    %swap3A_265 = arith.constant 16 : index
    %swap3A_266 = tpu.vector_load %arg8[%swap3A_265] {strides = array<i32>} : memref<128xi32, #tpu.memory_space<vmem>>, vector<16xi32>,
    %swap3A_267 = vector.shape_cast %swap3A_266 : vector<16xi32> to vector<16xi32>
    %swap3A_268 = vector.shape_cast %get3A_264 : vector<16xi32> to vector<16xi32>
    tpu.vector_store %arg8[%swap3A_265], %swap3A_268 {strides = array<i32>} : memref<128xi32, #tpu.memory_space<vmem>>, vector<16xi32>,
    %get3A_269 = arith.constant 0 : i32
    %get3A_270 = arith.index_cast %get3A_269 : i32 to index
    %get3A_271 = arith.constant 32 : index
    %get3A_272 = tpu.vector_load %arg7[%get3A_270, %get3A_271] {strides = array<i32>} : memref<40x128xi32, #tpu.memory_space<vmem>>, vector<1x16xi32>,
    %get3A_273 = vector.shape_cast %get3A_272 : vector<1x16xi32> to vector<16xi32>
    %swap3A_274 = arith.constant 32 : index
    %swap3A_275 = tpu.vector_load %arg8[%swap3A_274] {strides = array<i32>} : memref<128xi32, #tpu.memory_space<vmem>>, vector<16xi32>,
    %swap3A_276 = vector.shape_cast %swap3A_275 : vector<16xi32> to vector<16xi32>
    %swap3A_277 = vector.shape_cast %get3A_273 : vector<16xi32> to vector<16xi32>
    tpu.vector_store %arg8[%swap3A_274], %swap3A_277 {strides = array<i32>} : memref<128xi32, #tpu.memory_space<vmem>>, vector<16xi32>,
    %get3A_278 = arith.constant 0 : i32
    %get3A_279 = arith.index_cast %get3A_278 : i32 to index
    %get3A_280 = arith.constant 48 : index
    %get3A_281 = tpu.vector_load %arg7[%get3A_279, %get3A_280] {strides = array<i32>} : memref<40x128xi32, #tpu.memory_space<vmem>>, vector<1x16xi32>,
    %get3A_282 = vector.shape_cast %get3A_281 : vector<1x16xi32> to vector<16xi32>
    %swap3A_283 = arith.constant 48 : index
    %swap3A_284 = tpu.vector_load %arg8[%swap3A_283] {strides = array<i32>} : memref<128xi32, #tpu.memory_space<vmem>>, vector<16xi32>,
    %swap3A_285 = vector.shape_cast %swap3A_284 : vector<16xi32> to vector<16xi32>
    %swap3A_286 = vector.shape_cast %get3A_282 : vector<16xi32> to vector<16xi32>
    tpu.vector_store %arg8[%swap3A_283], %swap3A_286 {strides = array<i32>} : memref<128xi32, #tpu.memory_space<vmem>>, vector<16xi32>,
    %get3A_287 = arith.constant 0 : i32
    %get3A_288 = arith.index_cast %get3A_287 : i32 to index
    %get3A_289 = arith.constant 64 : index
    %get3A_290 = tpu.vector_load %arg7[%get3A_288, %get3A_289] {strides = array<i32>} : memref<40x128xi32, #tpu.memory_space<vmem>>, vector<1x16xi32>,
    %get3A_291 = vector.shape_cast %get3A_290 : vector<1x16xi32> to vector<16xi32>
    %swap3A_292 = arith.constant 64 : index
    %swap3A_293 = tpu.vector_load %arg8[%swap3A_292] {strides = array<i32>} : memref<128xi32, #tpu.memory_space<vmem>>, vector<16xi32>,
    %swap3A_294 = vector.shape_cast %swap3A_293 : vector<16xi32> to vector<16xi32>
    %swap3A_295 = vector.shape_cast %get3A_291 : vector<16xi32> to vector<16xi32>
    tpu.vector_store %arg8[%swap3A_292], %swap3A_295 {strides = array<i32>} : memref<128xi32, #tpu.memory_space<vmem>>, vector<16xi32>,
    %get3A_296 = arith.constant 0 : i32
    %get3A_297 = arith.index_cast %get3A_296 : i32 to index
    %get3A_298 = arith.constant 80 : index
    %get3A_299 = tpu.vector_load %arg7[%get3A_297, %get3A_298] {strides = array<i32>} : memref<40x128xi32, #tpu.memory_space<vmem>>, vector<1x16xi32>,
    %get3A_300 = vector.shape_cast %get3A_299 : vector<1x16xi32> to vector<16xi32>
    %swap3A_301 = arith.constant 80 : index
    %swap3A_302 = tpu.vector_load %arg8[%swap3A_301] {strides = array<i32>} : memref<128xi32, #tpu.memory_space<vmem>>, vector<16xi32>,
    %swap3A_303 = vector.shape_cast %swap3A_302 : vector<16xi32> to vector<16xi32>
    %swap3A_304 = vector.shape_cast %get3A_300 : vector<16xi32> to vector<16xi32>
    tpu.vector_store %arg8[%swap3A_301], %swap3A_304 {strides = array<i32>} : memref<128xi32, #tpu.memory_space<vmem>>, vector<16xi32>,
    %get3A_305 = arith.constant 0 : i32
    %get3A_306 = arith.index_cast %get3A_305 : i32 to index
    %get3A_307 = arith.constant 96 : index
    %get3A_308 = tpu.vector_load %arg7[%get3A_306, %get3A_307] {strides = array<i32>} : memref<40x128xi32, #tpu.memory_space<vmem>>, vector<1x16xi32>,
    %get3A_309 = vector.shape_cast %get3A_308 : vector<1x16xi32> to vector<16xi32>
    %swap3A_310 = arith.constant 96 : index
    %swap3A_311 = tpu.vector_load %arg8[%swap3A_310] {strides = array<i32>} : memref<128xi32, #tpu.memory_space<vmem>>, vector<16xi32>,
    %swap3A_312 = vector.shape_cast %swap3A_311 : vector<16xi32> to vector<16xi32>
    %swap3A_313 = vector.shape_cast %get3A_309 : vector<16xi32> to vector<16xi32>
    tpu.vector_store %arg8[%swap3A_310], %swap3A_313 {strides = array<i32>} : memref<128xi32, #tpu.memory_space<vmem>>, vector<16xi32>,
    %get3A_314 = arith.constant 0 : i32
    %get3A_315 = arith.index_cast %get3A_314 : i32 to index
    %get3A_316 = arith.constant 112 : index
    %get3A_317 = tpu.vector_load %arg7[%get3A_315, %get3A_316] {strides = array<i32>} : memref<40x128xi32, #tpu.memory_space<vmem>>, vector<1x16xi32>,
    %get3A_318 = vector.shape_cast %get3A_317 : vector<1x16xi32> to vector<16xi32>
    %swap3A_319 = arith.constant 112 : index
    %swap3A_320 = tpu.vector_load %arg8[%swap3A_319] {strides = array<i32>} : memref<128xi32, #tpu.memory_space<vmem>>, vector<16xi32>,
    %swap3A_321 = vector.shape_cast %swap3A_320 : vector<16xi32> to vector<16xi32>
    %swap3A_322 = vector.shape_cast %get3A_318 : vector<16xi32> to vector<16xi32>
    tpu.vector_store %arg8[%swap3A_319], %swap3A_322 {strides = array<i32>} : memref<128xi32, #tpu.memory_space<vmem>>, vector<16xi32>,
    %jit3A_323 = arith.constant 2 : i32
    %div3A = arith.divsi %sub3A_243, %jit3A_323 : i32
    %sign3A = arith.constant 0 : i32
    %sign3A_324 = arith.cmpi sgt, %sub3A_243, %sign3A : i32
    %sign3A_325 = arith.extui %sign3A_324 : i1 to i32
    %sign3A_326 = arith.constant 0 : i32
    %sign3A_327 = arith.cmpi slt, %sub3A_243, %sign3A_326 : i32
    %sign3A_328 = arith.extui %sign3A_327 : i1 to i32
    %sign3A_329 = arith.subi %sign3A_325, %sign3A_328 : i32
    %sign3A_330 = arith.constant 0 : i32
    %sign3A_331 = arith.cmpi sgt, %jit3A_323, %sign3A_330 : i32
    %sign3A_332 = arith.extui %sign3A_331 : i1 to i32
    %sign3A_333 = arith.constant 0 : i32
    %sign3A_334 = arith.cmpi slt, %jit3A_323, %sign3A_333 : i32
    %sign3A_335 = arith.extui %sign3A_334 : i1 to i32
    %sign3A_336 = arith.subi %sign3A_332, %sign3A_335 : i32
    %ne3A = arith.cmpi ne, %sign3A_329, %sign3A_336 : i32
    %rem3A = arith.remsi %sub3A_243, %jit3A_323 : i32
    %ne3A_337 = arith.constant 0 : i32
    %ne3A_338 = arith.cmpi ne, %rem3A, %ne3A_337 : i32
    %and3A = arith.andi %ne3A, %ne3A_338 : i1
    %sub3A_339 = arith.constant 1 : i32
    %sub3A_340 = arith.subi %div3A, %sub3A_339 : i32
    %select_n3A_341 = arith.select %and3A, %sub3A_340, %div3A : i32
    %while3A = arith.constant 0 : i32
    %while3A_342 = arith.constant 0 : i32
    %while3A_343 = arith.subi %select_n3A_341, %while3A_342 : i32
    %while3A_344 = arith.addi %while3A_342, %while3A_343 : i32
    %while3A_345 = arith.constant 1 : i32
    %while3A_346 = arith.divsi %while3A_343, %while3A_345 : i32
    %while3A_347 = arith.muli %while3A_346, %while3A_345 : i32
    %while3A_348 = arith.addi %while3A_342, %while3A_347 : i32
    %while3A_349 = arith.constant 1 : i32
    scf.for %while3A_368 = %while3A_342 to %while3A_348 step %while3A_349  : i32 {
      %mul3A_369 = arith.constant 2 : i32
      %mul3A_370 = arith.muli %mul3A_369, %while3A_368 : i32
      %add3A_371 = arith.constant 1 : i32
      %add3A_372 = arith.addi %mul3A_370, %add3A_371 : i32
      %dma_start3A_373 = arith.constant 0 : i32
      %dma_start3A_374 = tpu.memref_slice %arg6[%add3A_372, %dma_start3A_373] : memref<40x128xi32, #tpu.memory_space<vmem>> -> memref<1x128xi32, #tpu.memory_space<vmem>>
      %dma_start3A_375 = tpu.memref_squeeze %dma_start3A_374 : memref<1x128xi32, #tpu.memory_space<vmem>> -> memref<128xi32, #tpu.memory_space<vmem>>
      %dma_start3A_376 = arith.constant 0 : i32
      %dma_start3A_377 = arith.constant 0 : i32
      %dma_start3A_378 = tpu.memref_slice %arg2[%dma_start3A_376, %dma_start3A_377] : memref<10000x128xf32, #tpu.memory_space<hbm>> -> memref<10000x128xf32, #tpu.memory_space<hbm>>
      tpu.enqueue_indirect_dma source(%dma_start3A_378 : memref<10000x128xf32, #tpu.memory_space<hbm>>) target(%arg11 : memref<128x128xf32, #tpu.memory_space<vmem>>) offsets(%dma_start3A_375 : memref<128xi32, #tpu.memory_space<vmem>>) semaphore(%arg14 : memref<!tpu.dma_semaphore, #tpu.memory_space<semaphore_mem>>)
      %add3A_379 = arith.constant 1 : i32
      %add3A_380 = arith.addi %mul3A_370, %add3A_379 : i32
      %get3A_381 = arith.index_cast %add3A_380 : i32 to index
      %get3A_382 = arith.constant 0 : index
      %get3A_383 = tpu.vector_load %arg7[%get3A_381, %get3A_382] {strides = array<i32>} : memref<40x128xi32, #tpu.memory_space<vmem>>, vector<1x16xi32>,
      %get3A_384 = vector.shape_cast %get3A_383 : vector<1x16xi32> to vector<16xi32>
      %swap3A_385 = arith.constant 0 : index
      %swap3A_386 = tpu.vector_load %arg9[%swap3A_385] {strides = array<i32>} : memref<128xi32, #tpu.memory_space<vmem>>, vector<16xi32>,
      %swap3A_387 = vector.shape_cast %swap3A_386 : vector<16xi32> to vector<16xi32>
      %swap3A_388 = vector.shape_cast %get3A_384 : vector<16xi32> to vector<16xi32>
      tpu.vector_store %arg9[%swap3A_385], %swap3A_388 {strides = array<i32>} : memref<128xi32, #tpu.memory_space<vmem>>, vector<16xi32>,
      %get3A_389 = arith.index_cast %add3A_380 : i32 to index
      %get3A_390 = arith.constant 16 : index
      %get3A_391 = tpu.vector_load %arg7[%get3A_389, %get3A_390] {strides = array<i32>} : memref<40x128xi32, #tpu.memory_space<vmem>>, vector<1x16xi32>,
      %get3A_392 = vector.shape_cast %get3A_391 : vector<1x16xi32> to vector<16xi32>
      %swap3A_393 = arith.constant 16 : index
      %swap3A_394 = tpu.vector_load %arg9[%swap3A_393] {strides = array<i32>} : memref<128xi32, #tpu.memory_space<vmem>>, vector<16xi32>,
      %swap3A_395 = vector.shape_cast %swap3A_394 : vector<16xi32> to vector<16xi32>
      %swap3A_396 = vector.shape_cast %get3A_392 : vector<16xi32> to vector<16xi32>
      tpu.vector_store %arg9[%swap3A_393], %swap3A_396 {strides = array<i32>} : memref<128xi32, #tpu.memory_space<vmem>>, vector<16xi32>,
      %get3A_397 = arith.index_cast %add3A_380 : i32 to index
      %get3A_398 = arith.constant 32 : index
      %get3A_399 = tpu.vector_load %arg7[%get3A_397, %get3A_398] {strides = array<i32>} : memref<40x128xi32, #tpu.memory_space<vmem>>, vector<1x16xi32>,
      %get3A_400 = vector.shape_cast %get3A_399 : vector<1x16xi32> to vector<16xi32>
      %swap3A_401 = arith.constant 32 : index
      %swap3A_402 = tpu.vector_load %arg9[%swap3A_401] {strides = array<i32>} : memref<128xi32, #tpu.memory_space<vmem>>, vector<16xi32>,
      %swap3A_403 = vector.shape_cast %swap3A_402 : vector<16xi32> to vector<16xi32>
      %swap3A_404 = vector.shape_cast %get3A_400 : vector<16xi32> to vector<16xi32>
      tpu.vector_store %arg9[%swap3A_401], %swap3A_404 {strides = array<i32>} : memref<128xi32, #tpu.memory_space<vmem>>, vector<16xi32>,
      %get3A_405 = arith.index_cast %add3A_380 : i32 to index
      %get3A_406 = arith.constant 48 : index
      %get3A_407 = tpu.vector_load %arg7[%get3A_405, %get3A_406] {strides = array<i32>} : memref<40x128xi32, #tpu.memory_space<vmem>>, vector<1x16xi32>,
      %get3A_408 = vector.shape_cast %get3A_407 : vector<1x16xi32> to vector<16xi32>
      %swap3A_409 = arith.constant 48 : index
      %swap3A_410 = tpu.vector_load %arg9[%swap3A_409] {strides = array<i32>} : memref<128xi32, #tpu.memory_space<vmem>>, vector<16xi32>,
      %swap3A_411 = vector.shape_cast %swap3A_410 : vector<16xi32> to vector<16xi32>
      %swap3A_412 = vector.shape_cast %get3A_408 : vector<16xi32> to vector<16xi32>
      tpu.vector_store %arg9[%swap3A_409], %swap3A_412 {strides = array<i32>} : memref<128xi32, #tpu.memory_space<vmem>>, vector<16xi32>,
      %get3A_413 = arith.index_cast %add3A_380 : i32 to index
      %get3A_414 = arith.constant 64 : index
      %get3A_415 = tpu.vector_load %arg7[%get3A_413, %get3A_414] {strides = array<i32>} : memref<40x128xi32, #tpu.memory_space<vmem>>, vector<1x16xi32>,
      %get3A_416 = vector.shape_cast %get3A_415 : vector<1x16xi32> to vector<16xi32>
      %swap3A_417 = arith.constant 64 : index
      %swap3A_418 = tpu.vector_load %arg9[%swap3A_417] {strides = array<i32>} : memref<128xi32, #tpu.memory_space<vmem>>, vector<16xi32>,
      %swap3A_419 = vector.shape_cast %swap3A_418 : vector<16xi32> to vector<16xi32>
      %swap3A_420 = vector.shape_cast %get3A_416 : vector<16xi32> to vector<16xi32>
      tpu.vector_store %arg9[%swap3A_417], %swap3A_420 {strides = array<i32>} : memref<128xi32, #tpu.memory_space<vmem>>, vector<16xi32>,
      %get3A_421 = arith.index_cast %add3A_380 : i32 to index
      %get3A_422 = arith.constant 80 : index
      %get3A_423 = tpu.vector_load %arg7[%get3A_421, %get3A_422] {strides = array<i32>} : memref<40x128xi32, #tpu.memory_space<vmem>>, vector<1x16xi32>,
      %get3A_424 = vector.shape_cast %get3A_423 : vector<1x16xi32> to vector<16xi32>
      %swap3A_425 = arith.constant 80 : index
      %swap3A_426 = tpu.vector_load %arg9[%swap3A_425] {strides = array<i32>} : memref<128xi32, #tpu.memory_space<vmem>>, vector<16xi32>,
      %swap3A_427 = vector.shape_cast %swap3A_426 : vector<16xi32> to vector<16xi32>
      %swap3A_428 = vector.shape_cast %get3A_424 : vector<16xi32> to vector<16xi32>
      tpu.vector_store %arg9[%swap3A_425], %swap3A_428 {strides = array<i32>} : memref<128xi32, #tpu.memory_space<vmem>>, vector<16xi32>,
      %get3A_429 = arith.index_cast %add3A_380 : i32 to index
      %get3A_430 = arith.constant 96 : index
      %get3A_431 = tpu.vector_load %arg7[%get3A_429, %get3A_430] {strides = array<i32>} : memref<40x128xi32, #tpu.memory_space<vmem>>, vector<1x16xi32>,
      %get3A_432 = vector.shape_cast %get3A_431 : vector<1x16xi32> to vector<16xi32>
      %swap3A_433 = arith.constant 96 : index
      %swap3A_434 = tpu.vector_load %arg9[%swap3A_433] {strides = array<i32>} : memref<128xi32, #tpu.memory_space<vmem>>, vector<16xi32>,
      %swap3A_435 = vector.shape_cast %swap3A_434 : vector<16xi32> to vector<16xi32>
      %swap3A_436 = vector.shape_cast %get3A_432 : vector<16xi32> to vector<16xi32>
      tpu.vector_store %arg9[%swap3A_433], %swap3A_436 {strides = array<i32>} : memref<128xi32, #tpu.memory_space<vmem>>, vector<16xi32>,
      %get3A_437 = arith.index_cast %add3A_380 : i32 to index
      %get3A_438 = arith.constant 112 : index
      %get3A_439 = tpu.vector_load %arg7[%get3A_437, %get3A_438] {strides = array<i32>} : memref<40x128xi32, #tpu.memory_space<vmem>>, vector<1x16xi32>,
      %get3A_440 = vector.shape_cast %get3A_439 : vector<1x16xi32> to vector<16xi32>
      %swap3A_441 = arith.constant 112 : index
      %swap3A_442 = tpu.vector_load %arg9[%swap3A_441] {strides = array<i32>} : memref<128xi32, #tpu.memory_space<vmem>>, vector<16xi32>,
      %swap3A_443 = vector.shape_cast %swap3A_442 : vector<16xi32> to vector<16xi32>
      %swap3A_444 = vector.shape_cast %get3A_440 : vector<16xi32> to vector<16xi32>
      tpu.vector_store %arg9[%swap3A_441], %swap3A_444 {strides = array<i32>} : memref<128xi32, #tpu.memory_space<vmem>>, vector<16xi32>,
      %dma_wait3A_445 = arith.constant 0 : i32
      %dma_wait3A_446 = tpu.memref_slice %arg6[%mul3A_370, %dma_wait3A_445] : memref<40x128xi32, #tpu.memory_space<vmem>> -> memref<1x128xi32, #tpu.memory_space<vmem>>
      %dma_wait3A_447 = tpu.memref_squeeze %dma_wait3A_446 : memref<1x128xi32, #tpu.memory_space<vmem>> -> memref<128xi32, #tpu.memory_space<vmem>>
      %dma_wait3A_448 = arith.constant 0 : i32
      %dma_wait3A_449 = arith.constant 0 : i32
      %dma_wait3A_450 = tpu.memref_slice %arg2[%dma_wait3A_448, %dma_wait3A_449] : memref<10000x128xf32, #tpu.memory_space<hbm>> -> memref<10000x128xf32, #tpu.memory_space<hbm>>
      tpu.wait_indirect_dma semaphore(%arg13 : memref<!tpu.dma_semaphore, #tpu.memory_space<semaphore_mem>>) src(%dma_wait3A_450 : memref<10000x128xf32, #tpu.memory_space<hbm>>) dst(%arg10 : memref<128x128xf32, #tpu.memory_space<vmem>>)
      "tpu.region"() ({
        %run_scoped3A = tpu.sem_alloc : memref<!tpu.dma_semaphore, #tpu.memory_space<semaphore_mem>>
        %dma_start3A_533 = arith.constant 0 : i32
        %dma_start3A_534 = arith.constant 0 : i32
        %dma_start3A_535 = tpu.memref_slice %arg12[%dma_start3A_533, %dma_start3A_534] : memref<10008x128xf32, #tpu.memory_space<vmem_shared>> -> memref<10008x128xf32, #tpu.memory_space<vmem_shared>>
        tpu.enqueue_indirect_dma source(%arg10 : memref<128x128xf32, #tpu.memory_space<vmem>>) target(%dma_start3A_535 : memref<10008x128xf32, #tpu.memory_space<vmem_shared>>) offsets(%arg8 : memref<128xi32, #tpu.memory_space<vmem>>) semaphore(%run_scoped3A : memref<!tpu.dma_semaphore, #tpu.memory_space<semaphore_mem>>) {add = true}
        %dma_wait3A_536 = arith.constant 0 : i32
        %dma_wait3A_537 = arith.constant 0 : i32
        %dma_wait3A_538 = tpu.memref_slice %arg12[%dma_wait3A_536, %dma_wait3A_537] : memref<10008x128xf32, #tpu.memory_space<vmem_shared>> -> memref<10008x128xf32, #tpu.memory_space<vmem_shared>>
        tpu.wait_indirect_dma semaphore(%run_scoped3A : memref<!tpu.dma_semaphore, #tpu.memory_space<semaphore_mem>>) src(%arg10 : memref<128x128xf32, #tpu.memory_space<vmem>>) dst(%dma_wait3A_538 : memref<10008x128xf32, #tpu.memory_space<vmem_shared>>)
        tpu.yield
      }) : () -> ()
      %add3A_451 = arith.constant 2 : i32
      %add3A_452 = arith.addi %mul3A_370, %add3A_451 : i32
      %sub3A_453 = arith.constant 1 : i32
      %sub3A_454 = arith.subi %sub3A_243, %sub3A_453 : i32
      %min3A = arith.minsi %add3A_452, %sub3A_454 : i32
      %dma_start3A_455 = arith.constant 0 : i32
      %dma_start3A_456 = tpu.memref_slice %arg6[%min3A, %dma_start3A_455] : memref<40x128xi32, #tpu.memory_space<vmem>> -> memref<1x128xi32, #tpu.memory_space<vmem>>
      %dma_start3A_457 = tpu.memref_squeeze %dma_start3A_456 : memref<1x128xi32, #tpu.memory_space<vmem>> -> memref<128xi32, #tpu.memory_space<vmem>>
      %dma_start3A_458 = arith.constant 0 : i32
      %dma_start3A_459 = arith.constant 0 : i32
      %dma_start3A_460 = tpu.memref_slice %arg2[%dma_start3A_458, %dma_start3A_459] : memref<10000x128xf32, #tpu.memory_space<hbm>> -> memref<10000x128xf32, #tpu.memory_space<hbm>>
      tpu.enqueue_indirect_dma source(%dma_start3A_460 : memref<10000x128xf32, #tpu.memory_space<hbm>>) target(%arg10 : memref<128x128xf32, #tpu.memory_space<vmem>>) offsets(%dma_start3A_457 : memref<128xi32, #tpu.memory_space<vmem>>) semaphore(%arg13 : memref<!tpu.dma_semaphore, #tpu.memory_space<semaphore_mem>>)
      %get3A_461 = arith.index_cast %min3A : i32 to index
      %get3A_462 = arith.constant 0 : index
      %get3A_463 = tpu.vector_load %arg7[%get3A_461, %get3A_462] {strides = array<i32>} : memref<40x128xi32, #tpu.memory_space<vmem>>, vector<1x16xi32>,
      %get3A_464 = vector.shape_cast %get3A_463 : vector<1x16xi32> to vector<16xi32>
      %swap3A_465 = arith.constant 0 : index
      %swap3A_466 = tpu.vector_load %arg8[%swap3A_465] {strides = array<i32>} : memref<128xi32, #tpu.memory_space<vmem>>, vector<16xi32>,
      %swap3A_467 = vector.shape_cast %swap3A_466 : vector<16xi32> to vector<16xi32>
      %swap3A_468 = vector.shape_cast %get3A_464 : vector<16xi32> to vector<16xi32>
      tpu.vector_store %arg8[%swap3A_465], %swap3A_468 {strides = array<i32>} : memref<128xi32, #tpu.memory_space<vmem>>, vector<16xi32>,
      %get3A_469 = arith.index_cast %min3A : i32 to index
      %get3A_470 = arith.constant 16 : index
      %get3A_471 = tpu.vector_load %arg7[%get3A_469, %get3A_470] {strides = array<i32>} : memref<40x128xi32, #tpu.memory_space<vmem>>, vector<1x16xi32>,
      %get3A_472 = vector.shape_cast %get3A_471 : vector<1x16xi32> to vector<16xi32>
      %swap3A_473 = arith.constant 16 : index
      %swap3A_474 = tpu.vector_load %arg8[%swap3A_473] {strides = array<i32>} : memref<128xi32, #tpu.memory_space<vmem>>, vector<16xi32>,
      %swap3A_475 = vector.shape_cast %swap3A_474 : vector<16xi32> to vector<16xi32>
      %swap3A_476 = vector.shape_cast %get3A_472 : vector<16xi32> to vector<16xi32>
      tpu.vector_store %arg8[%swap3A_473], %swap3A_476 {strides = array<i32>} : memref<128xi32, #tpu.memory_space<vmem>>, vector<16xi32>,
      %get3A_477 = arith.index_cast %min3A : i32 to index
      %get3A_478 = arith.constant 32 : index
      %get3A_479 = tpu.vector_load %arg7[%get3A_477, %get3A_478] {strides = array<i32>} : memref<40x128xi32, #tpu.memory_space<vmem>>, vector<1x16xi32>,
      %get3A_480 = vector.shape_cast %get3A_479 : vector<1x16xi32> to vector<16xi32>
      %swap3A_481 = arith.constant 32 : index
      %swap3A_482 = tpu.vector_load %arg8[%swap3A_481] {strides = array<i32>} : memref<128xi32, #tpu.memory_space<vmem>>, vector<16xi32>,
      %swap3A_483 = vector.shape_cast %swap3A_482 : vector<16xi32> to vector<16xi32>
      %swap3A_484 = vector.shape_cast %get3A_480 : vector<16xi32> to vector<16xi32>
      tpu.vector_store %arg8[%swap3A_481], %swap3A_484 {strides = array<i32>} : memref<128xi32, #tpu.memory_space<vmem>>, vector<16xi32>,
      %get3A_485 = arith.index_cast %min3A : i32 to index
      %get3A_486 = arith.constant 48 : index
      %get3A_487 = tpu.vector_load %arg7[%get3A_485, %get3A_486] {strides = array<i32>} : memref<40x128xi32, #tpu.memory_space<vmem>>, vector<1x16xi32>,
      %get3A_488 = vector.shape_cast %get3A_487 : vector<1x16xi32> to vector<16xi32>
      %swap3A_489 = arith.constant 48 : index
      %swap3A_490 = tpu.vector_load %arg8[%swap3A_489] {strides = array<i32>} : memref<128xi32, #tpu.memory_space<vmem>>, vector<16xi32>,
      %swap3A_491 = vector.shape_cast %swap3A_490 : vector<16xi32> to vector<16xi32>
      %swap3A_492 = vector.shape_cast %get3A_488 : vector<16xi32> to vector<16xi32>
      tpu.vector_store %arg8[%swap3A_489], %swap3A_492 {strides = array<i32>} : memref<128xi32, #tpu.memory_space<vmem>>, vector<16xi32>,
      %get3A_493 = arith.index_cast %min3A : i32 to index
      %get3A_494 = arith.constant 64 : index
      %get3A_495 = tpu.vector_load %arg7[%get3A_493, %get3A_494] {strides = array<i32>} : memref<40x128xi32, #tpu.memory_space<vmem>>, vector<1x16xi32>,
      %get3A_496 = vector.shape_cast %get3A_495 : vector<1x16xi32> to vector<16xi32>
      %swap3A_497 = arith.constant 64 : index
      %swap3A_498 = tpu.vector_load %arg8[%swap3A_497] {strides = array<i32>} : memref<128xi32, #tpu.memory_space<vmem>>, vector<16xi32>,
      %swap3A_499 = vector.shape_cast %swap3A_498 : vector<16xi32> to vector<16xi32>
      %swap3A_500 = vector.shape_cast %get3A_496 : vector<16xi32> to vector<16xi32>
      tpu.vector_store %arg8[%swap3A_497], %swap3A_500 {strides = array<i32>} : memref<128xi32, #tpu.memory_space<vmem>>, vector<16xi32>,
      %get3A_501 = arith.index_cast %min3A : i32 to index
      %get3A_502 = arith.constant 80 : index
      %get3A_503 = tpu.vector_load %arg7[%get3A_501, %get3A_502] {strides = array<i32>} : memref<40x128xi32, #tpu.memory_space<vmem>>, vector<1x16xi32>,
      %get3A_504 = vector.shape_cast %get3A_503 : vector<1x16xi32> to vector<16xi32>
      %swap3A_505 = arith.constant 80 : index
      %swap3A_506 = tpu.vector_load %arg8[%swap3A_505] {strides = array<i32>} : memref<128xi32, #tpu.memory_space<vmem>>, vector<16xi32>,
      %swap3A_507 = vector.shape_cast %swap3A_506 : vector<16xi32> to vector<16xi32>
      %swap3A_508 = vector.shape_cast %get3A_504 : vector<16xi32> to vector<16xi32>
      tpu.vector_store %arg8[%swap3A_505], %swap3A_508 {strides = array<i32>} : memref<128xi32, #tpu.memory_space<vmem>>, vector<16xi32>,
      %get3A_509 = arith.index_cast %min3A : i32 to index
      %get3A_510 = arith.constant 96 : index
      %get3A_511 = tpu.vector_load %arg7[%get3A_509, %get3A_510] {strides = array<i32>} : memref<40x128xi32, #tpu.memory_space<vmem>>, vector<1x16xi32>,
      %get3A_512 = vector.shape_cast %get3A_511 : vector<1x16xi32> to vector<16xi32>
      %swap3A_513 = arith.constant 96 : index
      %swap3A_514 = tpu.vector_load %arg8[%swap3A_513] {strides = array<i32>} : memref<128xi32, #tpu.memory_space<vmem>>, vector<16xi32>,
      %swap3A_515 = vector.shape_cast %swap3A_514 : vector<16xi32> to vector<16xi32>
      %swap3A_516 = vector.shape_cast %get3A_512 : vector<16xi32> to vector<16xi32>
      tpu.vector_store %arg8[%swap3A_513], %swap3A_516 {strides = array<i32>} : memref<128xi32, #tpu.memory_space<vmem>>, vector<16xi32>,
      %get3A_517 = arith.index_cast %min3A : i32 to index
      %get3A_518 = arith.constant 112 : index
      %get3A_519 = tpu.vector_load %arg7[%get3A_517, %get3A_518] {strides = array<i32>} : memref<40x128xi32, #tpu.memory_space<vmem>>, vector<1x16xi32>,
      %get3A_520 = vector.shape_cast %get3A_519 : vector<1x16xi32> to vector<16xi32>
      %swap3A_521 = arith.constant 112 : index
      %swap3A_522 = tpu.vector_load %arg8[%swap3A_521] {strides = array<i32>} : memref<128xi32, #tpu.memory_space<vmem>>, vector<16xi32>,
      %swap3A_523 = vector.shape_cast %swap3A_522 : vector<16xi32> to vector<16xi32>
      %swap3A_524 = vector.shape_cast %get3A_520 : vector<16xi32> to vector<16xi32>
      tpu.vector_store %arg8[%swap3A_521], %swap3A_524 {strides = array<i32>} : memref<128xi32, #tpu.memory_space<vmem>>, vector<16xi32>,
      %add3A_525 = arith.constant 1 : i32
      %add3A_526 = arith.addi %mul3A_370, %add3A_525 : i32
      %dma_wait3A_527 = arith.constant 0 : i32
      %dma_wait3A_528 = tpu.memref_slice %arg6[%add3A_526, %dma_wait3A_527] : memref<40x128xi32, #tpu.memory_space<vmem>> -> memref<1x128xi32, #tpu.memory_space<vmem>>
      %dma_wait3A_529 = tpu.memref_squeeze %dma_wait3A_528 : memref<1x128xi32, #tpu.memory_space<vmem>> -> memref<128xi32, #tpu.memory_space<vmem>>
      %dma_wait3A_530 = arith.constant 0 : i32
      %dma_wait3A_531 = arith.constant 0 : i32
      %dma_wait3A_532 = tpu.memref_slice %arg2[%dma_wait3A_530, %dma_wait3A_531] : memref<10000x128xf32, #tpu.memory_space<hbm>> -> memref<10000x128xf32, #tpu.memory_space<hbm>>
      tpu.wait_indirect_dma semaphore(%arg14 : memref<!tpu.dma_semaphore, #tpu.memory_space<semaphore_mem>>) src(%dma_wait3A_532 : memref<10000x128xf32, #tpu.memory_space<hbm>>) dst(%arg11 : memref<128x128xf32, #tpu.memory_space<vmem>>)
      "tpu.region"() ({
        %run_scoped3A = tpu.sem_alloc : memref<!tpu.dma_semaphore, #tpu.memory_space<semaphore_mem>>
        %dma_start3A_533 = arith.constant 0 : i32
        %dma_start3A_534 = arith.constant 0 : i32
        %dma_start3A_535 = tpu.memref_slice %arg12[%dma_start3A_533, %dma_start3A_534] : memref<10008x128xf32, #tpu.memory_space<vmem_shared>> -> memref<10008x128xf32, #tpu.memory_space<vmem_shared>>
        tpu.enqueue_indirect_dma source(%arg11 : memref<128x128xf32, #tpu.memory_space<vmem>>) target(%dma_start3A_535 : memref<10008x128xf32, #tpu.memory_space<vmem_shared>>) offsets(%arg9 : memref<128xi32, #tpu.memory_space<vmem>>) semaphore(%run_scoped3A : memref<!tpu.dma_semaphore, #tpu.memory_space<semaphore_mem>>) {add = true}
        %dma_wait3A_536 = arith.constant 0 : i32
        %dma_wait3A_537 = arith.constant 0 : i32
        %dma_wait3A_538 = tpu.memref_slice %arg12[%dma_wait3A_536, %dma_wait3A_537] : memref<10008x128xf32, #tpu.memory_space<vmem_shared>> -> memref<10008x128xf32, #tpu.memory_space<vmem_shared>>
        tpu.wait_indirect_dma semaphore(%run_scoped3A : memref<!tpu.dma_semaphore, #tpu.memory_space<semaphore_mem>>) src(%arg11 : memref<128x128xf32, #tpu.memory_space<vmem>>) dst(%dma_wait3A_538 : memref<10008x128xf32, #tpu.memory_space<vmem_shared>>)
        tpu.yield
      }) : () -> ()
    }
    %while3A_350 = arith.constant 1 : i32
    scf.for %while3A_368 = %while3A_348 to %while3A_344 step %while3A_350  : i32 {
      %mul3A_369 = arith.constant 2 : i32
      %mul3A_370 = arith.muli %mul3A_369, %while3A_368 : i32
      %add3A_371 = arith.constant 1 : i32
      %add3A_372 = arith.addi %mul3A_370, %add3A_371 : i32
      %dma_start3A_373 = arith.constant 0 : i32
      %dma_start3A_374 = tpu.memref_slice %arg6[%add3A_372, %dma_start3A_373] : memref<40x128xi32, #tpu.memory_space<vmem>> -> memref<1x128xi32, #tpu.memory_space<vmem>>
      %dma_start3A_375 = tpu.memref_squeeze %dma_start3A_374 : memref<1x128xi32, #tpu.memory_space<vmem>> -> memref<128xi32, #tpu.memory_space<vmem>>
      %dma_start3A_376 = arith.constant 0 : i32
      %dma_start3A_377 = arith.constant 0 : i32
      %dma_start3A_378 = tpu.memref_slice %arg2[%dma_start3A_376, %dma_start3A_377] : memref<10000x128xf32, #tpu.memory_space<hbm>> -> memref<10000x128xf32, #tpu.memory_space<hbm>>
      tpu.enqueue_indirect_dma source(%dma_start3A_378 : memref<10000x128xf32, #tpu.memory_space<hbm>>) target(%arg11 : memref<128x128xf32, #tpu.memory_space<vmem>>) offsets(%dma_start3A_375 : memref<128xi32, #tpu.memory_space<vmem>>) semaphore(%arg14 : memref<!tpu.dma_semaphore, #tpu.memory_space<semaphore_mem>>)
      %add3A_379 = arith.constant 1 : i32
      %add3A_380 = arith.addi %mul3A_370, %add3A_379 : i32
      %get3A_381 = arith.index_cast %add3A_380 : i32 to index
      %get3A_382 = arith.constant 0 : index
      %get3A_383 = tpu.vector_load %arg7[%get3A_381, %get3A_382] {strides = array<i32>} : memref<40x128xi32, #tpu.memory_space<vmem>>, vector<1x16xi32>,
      %get3A_384 = vector.shape_cast %get3A_383 : vector<1x16xi32> to vector<16xi32>
      %swap3A_385 = arith.constant 0 : index
      %swap3A_386 = tpu.vector_load %arg9[%swap3A_385] {strides = array<i32>} : memref<128xi32, #tpu.memory_space<vmem>>, vector<16xi32>,
      %swap3A_387 = vector.shape_cast %swap3A_386 : vector<16xi32> to vector<16xi32>
      %swap3A_388 = vector.shape_cast %get3A_384 : vector<16xi32> to vector<16xi32>
      tpu.vector_store %arg9[%swap3A_385], %swap3A_388 {strides = array<i32>} : memref<128xi32, #tpu.memory_space<vmem>>, vector<16xi32>,
      %get3A_389 = arith.index_cast %add3A_380 : i32 to index
      %get3A_390 = arith.constant 16 : index
      %get3A_391 = tpu.vector_load %arg7[%get3A_389, %get3A_390] {strides = array<i32>} : memref<40x128xi32, #tpu.memory_space<vmem>>, vector<1x16xi32>,
      %get3A_392 = vector.shape_cast %get3A_391 : vector<1x16xi32> to vector<16xi32>
      %swap3A_393 = arith.constant 16 : index
      %swap3A_394 = tpu.vector_load %arg9[%swap3A_393] {strides = array<i32>} : memref<128xi32, #tpu.memory_space<vmem>>, vector<16xi32>,
      %swap3A_395 = vector.shape_cast %swap3A_394 : vector<16xi32> to vector<16xi32>
      %swap3A_396 = vector.shape_cast %get3A_392 : vector<16xi32> to vector<16xi32>
      tpu.vector_store %arg9[%swap3A_393], %swap3A_396 {strides = array<i32>} : memref<128xi32, #tpu.memory_space<vmem>>, vector<16xi32>,
      %get3A_397 = arith.index_cast %add3A_380 : i32 to index
      %get3A_398 = arith.constant 32 : index
      %get3A_399 = tpu.vector_load %arg7[%get3A_397, %get3A_398] {strides = array<i32>} : memref<40x128xi32, #tpu.memory_space<vmem>>, vector<1x16xi32>,
      %get3A_400 = vector.shape_cast %get3A_399 : vector<1x16xi32> to vector<16xi32>
      %swap3A_401 = arith.constant 32 : index
      %swap3A_402 = tpu.vector_load %arg9[%swap3A_401] {strides = array<i32>} : memref<128xi32, #tpu.memory_space<vmem>>, vector<16xi32>,
      %swap3A_403 = vector.shape_cast %swap3A_402 : vector<16xi32> to vector<16xi32>
      %swap3A_404 = vector.shape_cast %get3A_400 : vector<16xi32> to vector<16xi32>
      tpu.vector_store %arg9[%swap3A_401], %swap3A_404 {strides = array<i32>} : memref<128xi32, #tpu.memory_space<vmem>>, vector<16xi32>,
      %get3A_405 = arith.index_cast %add3A_380 : i32 to index
      %get3A_406 = arith.constant 48 : index
      %get3A_407 = tpu.vector_load %arg7[%get3A_405, %get3A_406] {strides = array<i32>} : memref<40x128xi32, #tpu.memory_space<vmem>>, vector<1x16xi32>,
      %get3A_408 = vector.shape_cast %get3A_407 : vector<1x16xi32> to vector<16xi32>
      %swap3A_409 = arith.constant 48 : index
      %swap3A_410 = tpu.vector_load %arg9[%swap3A_409] {strides = array<i32>} : memref<128xi32, #tpu.memory_space<vmem>>, vector<16xi32>,
      %swap3A_411 = vector.shape_cast %swap3A_410 : vector<16xi32> to vector<16xi32>
      %swap3A_412 = vector.shape_cast %get3A_408 : vector<16xi32> to vector<16xi32>
      tpu.vector_store %arg9[%swap3A_409], %swap3A_412 {strides = array<i32>} : memref<128xi32, #tpu.memory_space<vmem>>, vector<16xi32>,
      %get3A_413 = arith.index_cast %add3A_380 : i32 to index
      %get3A_414 = arith.constant 64 : index
      %get3A_415 = tpu.vector_load %arg7[%get3A_413, %get3A_414] {strides = array<i32>} : memref<40x128xi32, #tpu.memory_space<vmem>>, vector<1x16xi32>,
      %get3A_416 = vector.shape_cast %get3A_415 : vector<1x16xi32> to vector<16xi32>
      %swap3A_417 = arith.constant 64 : index
      %swap3A_418 = tpu.vector_load %arg9[%swap3A_417] {strides = array<i32>} : memref<128xi32, #tpu.memory_space<vmem>>, vector<16xi32>,
      %swap3A_419 = vector.shape_cast %swap3A_418 : vector<16xi32> to vector<16xi32>
      %swap3A_420 = vector.shape_cast %get3A_416 : vector<16xi32> to vector<16xi32>
      tpu.vector_store %arg9[%swap3A_417], %swap3A_420 {strides = array<i32>} : memref<128xi32, #tpu.memory_space<vmem>>, vector<16xi32>,
      %get3A_421 = arith.index_cast %add3A_380 : i32 to index
      %get3A_422 = arith.constant 80 : index
      %get3A_423 = tpu.vector_load %arg7[%get3A_421, %get3A_422] {strides = array<i32>} : memref<40x128xi32, #tpu.memory_space<vmem>>, vector<1x16xi32>,
      %get3A_424 = vector.shape_cast %get3A_423 : vector<1x16xi32> to vector<16xi32>
      %swap3A_425 = arith.constant 80 : index
      %swap3A_426 = tpu.vector_load %arg9[%swap3A_425] {strides = array<i32>} : memref<128xi32, #tpu.memory_space<vmem>>, vector<16xi32>,
      %swap3A_427 = vector.shape_cast %swap3A_426 : vector<16xi32> to vector<16xi32>
      %swap3A_428 = vector.shape_cast %get3A_424 : vector<16xi32> to vector<16xi32>
      tpu.vector_store %arg9[%swap3A_425], %swap3A_428 {strides = array<i32>} : memref<128xi32, #tpu.memory_space<vmem>>, vector<16xi32>,
      %get3A_429 = arith.index_cast %add3A_380 : i32 to index
      %get3A_430 = arith.constant 96 : index
      %get3A_431 = tpu.vector_load %arg7[%get3A_429, %get3A_430] {strides = array<i32>} : memref<40x128xi32, #tpu.memory_space<vmem>>, vector<1x16xi32>,
      %get3A_432 = vector.shape_cast %get3A_431 : vector<1x16xi32> to vector<16xi32>
      %swap3A_433 = arith.constant 96 : index
      %swap3A_434 = tpu.vector_load %arg9[%swap3A_433] {strides = array<i32>} : memref<128xi32, #tpu.memory_space<vmem>>, vector<16xi32>,
      %swap3A_435 = vector.shape_cast %swap3A_434 : vector<16xi32> to vector<16xi32>
      %swap3A_436 = vector.shape_cast %get3A_432 : vector<16xi32> to vector<16xi32>
      tpu.vector_store %arg9[%swap3A_433], %swap3A_436 {strides = array<i32>} : memref<128xi32, #tpu.memory_space<vmem>>, vector<16xi32>,
      %get3A_437 = arith.index_cast %add3A_380 : i32 to index
      %get3A_438 = arith.constant 112 : index
      %get3A_439 = tpu.vector_load %arg7[%get3A_437, %get3A_438] {strides = array<i32>} : memref<40x128xi32, #tpu.memory_space<vmem>>, vector<1x16xi32>,
      %get3A_440 = vector.shape_cast %get3A_439 : vector<1x16xi32> to vector<16xi32>
      %swap3A_441 = arith.constant 112 : index
      %swap3A_442 = tpu.vector_load %arg9[%swap3A_441] {strides = array<i32>} : memref<128xi32, #tpu.memory_space<vmem>>, vector<16xi32>,
      %swap3A_443 = vector.shape_cast %swap3A_442 : vector<16xi32> to vector<16xi32>
      %swap3A_444 = vector.shape_cast %get3A_440 : vector<16xi32> to vector<16xi32>
      tpu.vector_store %arg9[%swap3A_441], %swap3A_444 {strides = array<i32>} : memref<128xi32, #tpu.memory_space<vmem>>, vector<16xi32>,
      %dma_wait3A_445 = arith.constant 0 : i32
      %dma_wait3A_446 = tpu.memref_slice %arg6[%mul3A_370, %dma_wait3A_445] : memref<40x128xi32, #tpu.memory_space<vmem>> -> memref<1x128xi32, #tpu.memory_space<vmem>>
      %dma_wait3A_447 = tpu.memref_squeeze %dma_wait3A_446 : memref<1x128xi32, #tpu.memory_space<vmem>> -> memref<128xi32, #tpu.memory_space<vmem>>
      %dma_wait3A_448 = arith.constant 0 : i32
      %dma_wait3A_449 = arith.constant 0 : i32
      %dma_wait3A_450 = tpu.memref_slice %arg2[%dma_wait3A_448, %dma_wait3A_449] : memref<10000x128xf32, #tpu.memory_space<hbm>> -> memref<10000x128xf32, #tpu.memory_space<hbm>>
      tpu.wait_indirect_dma semaphore(%arg13 : memref<!tpu.dma_semaphore, #tpu.memory_space<semaphore_mem>>) src(%dma_wait3A_450 : memref<10000x128xf32, #tpu.memory_space<hbm>>) dst(%arg10 : memref<128x128xf32, #tpu.memory_space<vmem>>)
      "tpu.region"() ({
        %run_scoped3A = tpu.sem_alloc : memref<!tpu.dma_semaphore, #tpu.memory_space<semaphore_mem>>
        %dma_start3A_533 = arith.constant 0 : i32
        %dma_start3A_534 = arith.constant 0 : i32
        %dma_start3A_535 = tpu.memref_slice %arg12[%dma_start3A_533, %dma_start3A_534] : memref<10008x128xf32, #tpu.memory_space<vmem_shared>> -> memref<10008x128xf32, #tpu.memory_space<vmem_shared>>
        tpu.enqueue_indirect_dma source(%arg10 : memref<128x128xf32, #tpu.memory_space<vmem>>) target(%dma_start3A_535 : memref<10008x128xf32, #tpu.memory_space<vmem_shared>>) offsets(%arg8 : memref<128xi32, #tpu.memory_space<vmem>>) semaphore(%run_scoped3A : memref<!tpu.dma_semaphore, #tpu.memory_space<semaphore_mem>>) {add = true}
        %dma_wait3A_536 = arith.constant 0 : i32
        %dma_wait3A_537 = arith.constant 0 : i32
        %dma_wait3A_538 = tpu.memref_slice %arg12[%dma_wait3A_536, %dma_wait3A_537] : memref<10008x128xf32, #tpu.memory_space<vmem_shared>> -> memref<10008x128xf32, #tpu.memory_space<vmem_shared>>
        tpu.wait_indirect_dma semaphore(%run_scoped3A : memref<!tpu.dma_semaphore, #tpu.memory_space<semaphore_mem>>) src(%arg10 : memref<128x128xf32, #tpu.memory_space<vmem>>) dst(%dma_wait3A_538 : memref<10008x128xf32, #tpu.memory_space<vmem_shared>>)
        tpu.yield
      }) : () -> ()
      %add3A_451 = arith.constant 2 : i32
      %add3A_452 = arith.addi %mul3A_370, %add3A_451 : i32
      %sub3A_453 = arith.constant 1 : i32
      %sub3A_454 = arith.subi %sub3A_243, %sub3A_453 : i32
      %min3A = arith.minsi %add3A_452, %sub3A_454 : i32
      %dma_start3A_455 = arith.constant 0 : i32
      %dma_start3A_456 = tpu.memref_slice %arg6[%min3A, %dma_start3A_455] : memref<40x128xi32, #tpu.memory_space<vmem>> -> memref<1x128xi32, #tpu.memory_space<vmem>>
      %dma_start3A_457 = tpu.memref_squeeze %dma_start3A_456 : memref<1x128xi32, #tpu.memory_space<vmem>> -> memref<128xi32, #tpu.memory_space<vmem>>
      %dma_start3A_458 = arith.constant 0 : i32
      %dma_start3A_459 = arith.constant 0 : i32
      %dma_start3A_460 = tpu.memref_slice %arg2[%dma_start3A_458, %dma_start3A_459] : memref<10000x128xf32, #tpu.memory_space<hbm>> -> memref<10000x128xf32, #tpu.memory_space<hbm>>
      tpu.enqueue_indirect_dma source(%dma_start3A_460 : memref<10000x128xf32, #tpu.memory_space<hbm>>) target(%arg10 : memref<128x128xf32, #tpu.memory_space<vmem>>) offsets(%dma_start3A_457 : memref<128xi32, #tpu.memory_space<vmem>>) semaphore(%arg13 : memref<!tpu.dma_semaphore, #tpu.memory_space<semaphore_mem>>)
      %get3A_461 = arith.index_cast %min3A : i32 to index
      %get3A_462 = arith.constant 0 : index
      %get3A_463 = tpu.vector_load %arg7[%get3A_461, %get3A_462] {strides = array<i32>} : memref<40x128xi32, #tpu.memory_space<vmem>>, vector<1x16xi32>,
      %get3A_464 = vector.shape_cast %get3A_463 : vector<1x16xi32> to vector<16xi32>
      %swap3A_465 = arith.constant 0 : index
      %swap3A_466 = tpu.vector_load %arg8[%swap3A_465] {strides = array<i32>} : memref<128xi32, #tpu.memory_space<vmem>>, vector<16xi32>,
      %swap3A_467 = vector.shape_cast %swap3A_466 : vector<16xi32> to vector<16xi32>
      %swap3A_468 = vector.shape_cast %get3A_464 : vector<16xi32> to vector<16xi32>
      tpu.vector_store %arg8[%swap3A_465], %swap3A_468 {strides = array<i32>} : memref<128xi32, #tpu.memory_space<vmem>>, vector<16xi32>,
      %get3A_469 = arith.index_cast %min3A : i32 to index
      %get3A_470 = arith.constant 16 : index
      %get3A_471 = tpu.vector_load %arg7[%get3A_469, %get3A_470] {strides = array<i32>} : memref<40x128xi32, #tpu.memory_space<vmem>>, vector<1x16xi32>,
      %get3A_472 = vector.shape_cast %get3A_471 : vector<1x16xi32> to vector<16xi32>
      %swap3A_473 = arith.constant 16 : index
      %swap3A_474 = tpu.vector_load %arg8[%swap3A_473] {strides = array<i32>} : memref<128xi32, #tpu.memory_space<vmem>>, vector<16xi32>,
      %swap3A_475 = vector.shape_cast %swap3A_474 : vector<16xi32> to vector<16xi32>
      %swap3A_476 = vector.shape_cast %get3A_472 : vector<16xi32> to vector<16xi32>
      tpu.vector_store %arg8[%swap3A_473], %swap3A_476 {strides = array<i32>} : memref<128xi32, #tpu.memory_space<vmem>>, vector<16xi32>,
      %get3A_477 = arith.index_cast %min3A : i32 to index
      %get3A_478 = arith.constant 32 : index
      %get3A_479 = tpu.vector_load %arg7[%get3A_477, %get3A_478] {strides = array<i32>} : memref<40x128xi32, #tpu.memory_space<vmem>>, vector<1x16xi32>,
      %get3A_480 = vector.shape_cast %get3A_479 : vector<1x16xi32> to vector<16xi32>
      %swap3A_481 = arith.constant 32 : index
      %swap3A_482 = tpu.vector_load %arg8[%swap3A_481] {strides = array<i32>} : memref<128xi32, #tpu.memory_space<vmem>>, vector<16xi32>,
      %swap3A_483 = vector.shape_cast %swap3A_482 : vector<16xi32> to vector<16xi32>
      %swap3A_484 = vector.shape_cast %get3A_480 : vector<16xi32> to vector<16xi32>
      tpu.vector_store %arg8[%swap3A_481], %swap3A_484 {strides = array<i32>} : memref<128xi32, #tpu.memory_space<vmem>>, vector<16xi32>,
      %get3A_485 = arith.index_cast %min3A : i32 to index
      %get3A_486 = arith.constant 48 : index
      %get3A_487 = tpu.vector_load %arg7[%get3A_485, %get3A_486] {strides = array<i32>} : memref<40x128xi32, #tpu.memory_space<vmem>>, vector<1x16xi32>,
      %get3A_488 = vector.shape_cast %get3A_487 : vector<1x16xi32> to vector<16xi32>
      %swap3A_489 = arith.constant 48 : index
      %swap3A_490 = tpu.vector_load %arg8[%swap3A_489] {strides = array<i32>} : memref<128xi32, #tpu.memory_space<vmem>>, vector<16xi32>,
      %swap3A_491 = vector.shape_cast %swap3A_490 : vector<16xi32> to vector<16xi32>
      %swap3A_492 = vector.shape_cast %get3A_488 : vector<16xi32> to vector<16xi32>
      tpu.vector_store %arg8[%swap3A_489], %swap3A_492 {strides = array<i32>} : memref<128xi32, #tpu.memory_space<vmem>>, vector<16xi32>,
      %get3A_493 = arith.index_cast %min3A : i32 to index
      %get3A_494 = arith.constant 64 : index
      %get3A_495 = tpu.vector_load %arg7[%get3A_493, %get3A_494] {strides = array<i32>} : memref<40x128xi32, #tpu.memory_space<vmem>>, vector<1x16xi32>,
      %get3A_496 = vector.shape_cast %get3A_495 : vector<1x16xi32> to vector<16xi32>
      %swap3A_497 = arith.constant 64 : index
      %swap3A_498 = tpu.vector_load %arg8[%swap3A_497] {strides = array<i32>} : memref<128xi32, #tpu.memory_space<vmem>>, vector<16xi32>,
      %swap3A_499 = vector.shape_cast %swap3A_498 : vector<16xi32> to vector<16xi32>
      %swap3A_500 = vector.shape_cast %get3A_496 : vector<16xi32> to vector<16xi32>
      tpu.vector_store %arg8[%swap3A_497], %swap3A_500 {strides = array<i32>} : memref<128xi32, #tpu.memory_space<vmem>>, vector<16xi32>,
      %get3A_501 = arith.index_cast %min3A : i32 to index
      %get3A_502 = arith.constant 80 : index
      %get3A_503 = tpu.vector_load %arg7[%get3A_501, %get3A_502] {strides = array<i32>} : memref<40x128xi32, #tpu.memory_space<vmem>>, vector<1x16xi32>,
      %get3A_504 = vector.shape_cast %get3A_503 : vector<1x16xi32> to vector<16xi32>
      %swap3A_505 = arith.constant 80 : index
      %swap3A_506 = tpu.vector_load %arg8[%swap3A_505] {strides = array<i32>} : memref<128xi32, #tpu.memory_space<vmem>>, vector<16xi32>,
      %swap3A_507 = vector.shape_cast %swap3A_506 : vector<16xi32> to vector<16xi32>
      %swap3A_508 = vector.shape_cast %get3A_504 : vector<16xi32> to vector<16xi32>
      tpu.vector_store %arg8[%swap3A_505], %swap3A_508 {strides = array<i32>} : memref<128xi32, #tpu.memory_space<vmem>>, vector<16xi32>,
      %get3A_509 = arith.index_cast %min3A : i32 to index
      %get3A_510 = arith.constant 96 : index
      %get3A_511 = tpu.vector_load %arg7[%get3A_509, %get3A_510] {strides = array<i32>} : memref<40x128xi32, #tpu.memory_space<vmem>>, vector<1x16xi32>,
      %get3A_512 = vector.shape_cast %get3A_511 : vector<1x16xi32> to vector<16xi32>
      %swap3A_513 = arith.constant 96 : index
      %swap3A_514 = tpu.vector_load %arg8[%swap3A_513] {strides = array<i32>} : memref<128xi32, #tpu.memory_space<vmem>>, vector<16xi32>,
      %swap3A_515 = vector.shape_cast %swap3A_514 : vector<16xi32> to vector<16xi32>
      %swap3A_516 = vector.shape_cast %get3A_512 : vector<16xi32> to vector<16xi32>
      tpu.vector_store %arg8[%swap3A_513], %swap3A_516 {strides = array<i32>} : memref<128xi32, #tpu.memory_space<vmem>>, vector<16xi32>,
      %get3A_517 = arith.index_cast %min3A : i32 to index
      %get3A_518 = arith.constant 112 : index
      %get3A_519 = tpu.vector_load %arg7[%get3A_517, %get3A_518] {strides = array<i32>} : memref<40x128xi32, #tpu.memory_space<vmem>>, vector<1x16xi32>,
      %get3A_520 = vector.shape_cast %get3A_519 : vector<1x16xi32> to vector<16xi32>
      %swap3A_521 = arith.constant 112 : index
      %swap3A_522 = tpu.vector_load %arg8[%swap3A_521] {strides = array<i32>} : memref<128xi32, #tpu.memory_space<vmem>>, vector<16xi32>,
      %swap3A_523 = vector.shape_cast %swap3A_522 : vector<16xi32> to vector<16xi32>
      %swap3A_524 = vector.shape_cast %get3A_520 : vector<16xi32> to vector<16xi32>
      tpu.vector_store %arg8[%swap3A_521], %swap3A_524 {strides = array<i32>} : memref<128xi32, #tpu.memory_space<vmem>>, vector<16xi32>,
      %add3A_525 = arith.constant 1 : i32
      %add3A_526 = arith.addi %mul3A_370, %add3A_525 : i32
      %dma_wait3A_527 = arith.constant 0 : i32
      %dma_wait3A_528 = tpu.memref_slice %arg6[%add3A_526, %dma_wait3A_527] : memref<40x128xi32, #tpu.memory_space<vmem>> -> memref<1x128xi32, #tpu.memory_space<vmem>>
      %dma_wait3A_529 = tpu.memref_squeeze %dma_wait3A_528 : memref<1x128xi32, #tpu.memory_space<vmem>> -> memref<128xi32, #tpu.memory_space<vmem>>
      %dma_wait3A_530 = arith.constant 0 : i32
      %dma_wait3A_531 = arith.constant 0 : i32
      %dma_wait3A_532 = tpu.memref_slice %arg2[%dma_wait3A_530, %dma_wait3A_531] : memref<10000x128xf32, #tpu.memory_space<hbm>> -> memref<10000x128xf32, #tpu.memory_space<hbm>>
      tpu.wait_indirect_dma semaphore(%arg14 : memref<!tpu.dma_semaphore, #tpu.memory_space<semaphore_mem>>) src(%dma_wait3A_532 : memref<10000x128xf32, #tpu.memory_space<hbm>>) dst(%arg11 : memref<128x128xf32, #tpu.memory_space<vmem>>)
      "tpu.region"() ({
        %run_scoped3A = tpu.sem_alloc : memref<!tpu.dma_semaphore, #tpu.memory_space<semaphore_mem>>
        %dma_start3A_533 = arith.constant 0 : i32
        %dma_start3A_534 = arith.constant 0 : i32
        %dma_start3A_535 = tpu.memref_slice %arg12[%dma_start3A_533, %dma_start3A_534] : memref<10008x128xf32, #tpu.memory_space<vmem_shared>> -> memref<10008x128xf32, #tpu.memory_space<vmem_shared>>
        tpu.enqueue_indirect_dma source(%arg11 : memref<128x128xf32, #tpu.memory_space<vmem>>) target(%dma_start3A_535 : memref<10008x128xf32, #tpu.memory_space<vmem_shared>>) offsets(%arg9 : memref<128xi32, #tpu.memory_space<vmem>>) semaphore(%run_scoped3A : memref<!tpu.dma_semaphore, #tpu.memory_space<semaphore_mem>>) {add = true}
        %dma_wait3A_536 = arith.constant 0 : i32
        %dma_wait3A_537 = arith.constant 0 : i32
        %dma_wait3A_538 = tpu.memref_slice %arg12[%dma_wait3A_536, %dma_wait3A_537] : memref<10008x128xf32, #tpu.memory_space<vmem_shared>> -> memref<10008x128xf32, #tpu.memory_space<vmem_shared>>
        tpu.wait_indirect_dma semaphore(%run_scoped3A : memref<!tpu.dma_semaphore, #tpu.memory_space<semaphore_mem>>) src(%arg11 : memref<128x128xf32, #tpu.memory_space<vmem>>) dst(%dma_wait3A_538 : memref<10008x128xf32, #tpu.memory_space<vmem_shared>>)
        tpu.yield
      }) : () -> ()
    }
    %dma_wait3A_351 = arith.constant 0 : i32
    %dma_wait3A_352 = arith.constant 0 : i32
    %dma_wait3A_353 = tpu.memref_slice %arg6[%dma_wait3A_351, %dma_wait3A_352] : memref<40x128xi32, #tpu.memory_space<vmem>> -> memref<1x128xi32, #tpu.memory_space<vmem>>
    %dma_wait3A_354 = tpu.memref_squeeze %dma_wait3A_353 : memref<1x128xi32, #tpu.memory_space<vmem>> -> memref<128xi32, #tpu.memory_space<vmem>>
    %dma_wait3A_355 = arith.constant 0 : i32
    %dma_wait3A_356 = arith.constant 0 : i32
    %dma_wait3A_357 = tpu.memref_slice %arg2[%dma_wait3A_355, %dma_wait3A_356] : memref<10000x128xf32, #tpu.memory_space<hbm>> -> memref<10000x128xf32, #tpu.memory_space<hbm>>
    tpu.wait_indirect_dma semaphore(%arg13 : memref<!tpu.dma_semaphore, #tpu.memory_space<semaphore_mem>>) src(%dma_wait3A_357 : memref<10000x128xf32, #tpu.memory_space<hbm>>) dst(%arg10 : memref<128x128xf32, #tpu.memory_space<vmem>>)
    %barrier3A_358 = arith.constant 0 : index
    tpu.barrier barrier_id(%barrier3A_358)
    %mul3A_359 = arith.constant 624 : i32
    %mul3A_360 = arith.muli %arg1, %mul3A_359 : i32
    %mul3A_361 = arith.constant 624 : i32
    %mul3A_362 = arith.muli %arg1, %mul3A_361 : i32
    "tpu.region"() ({
      %run_scoped3A = tpu.sem_alloc : memref<!tpu.dma_semaphore, #tpu.memory_space<semaphore_mem>>
      %dma_start3A_368 = arith.constant 0 : i32
      %dma_start3A_369 = tpu.memref_slice %arg5[%arg0, %mul3A_362, %dma_start3A_368] : memref<2x10000x128xf32, #tpu.memory_space<hbm>> -> memref<1x624x128xf32, #tpu.memory_space<hbm>>
      %dma_start3A_370 = tpu.memref_squeeze %dma_start3A_369 : memref<1x624x128xf32, #tpu.memory_space<hbm>> -> memref<624x128xf32, #tpu.memory_space<hbm>>
      %dma_start3A_371 = arith.constant 0 : i32
      %dma_start3A_372 = tpu.memref_slice %arg12[%mul3A_360, %dma_start3A_371] : memref<10008x128xf32, #tpu.memory_space<vmem_shared>> -> memref<624x128xf32, #tpu.memory_space<vmem_shared>>
      tpu.enqueue_dma source(%dma_start3A_372 : memref<624x128xf32, #tpu.memory_space<vmem_shared>>) target(%dma_start3A_370 : memref<624x128xf32, #tpu.memory_space<hbm>>) target_semaphore(%run_scoped3A : memref<!tpu.dma_semaphore, #tpu.memory_space<semaphore_mem>>)
      %dma_wait3A_373 = arith.constant 0 : i32
      %dma_wait3A_374 = tpu.memref_slice %arg5[%arg0, %mul3A_362, %dma_wait3A_373] : memref<2x10000x128xf32, #tpu.memory_space<hbm>> -> memref<1x624x128xf32, #tpu.memory_space<hbm>>
      %dma_wait3A_375 = tpu.memref_squeeze %dma_wait3A_374 : memref<1x624x128xf32, #tpu.memory_space<hbm>> -> memref<624x128xf32, #tpu.memory_space<hbm>>
      %dma_wait3A_376 = arith.constant 0 : i32
      %dma_wait3A_377 = tpu.memref_slice %arg12[%mul3A_360, %dma_wait3A_376] : memref<10008x128xf32, #tpu.memory_space<vmem_shared>> -> memref<624x128xf32, #tpu.memory_space<vmem_shared>>
      tpu.wait_dma2 semaphore(%run_scoped3A : memref<!tpu.dma_semaphore, #tpu.memory_space<semaphore_mem>>) src(%dma_wait3A_377 : memref<624x128xf32, #tpu.memory_space<vmem_shared>>) dst(%dma_wait3A_375 : memref<624x128xf32, #tpu.memory_space<hbm>>)
      tpu.yield
    }) : () -> ()
    %lt3A_363 = arith.constant 2 : i32
    %lt3A_364 = arith.cmpi slt, %arg1, %lt3A_363 : i32
    %convert_element_type3A_365 = arith.extui %lt3A_364 : i1 to i32
    %cond3A_366 = arith.constant 0 : i32
    %cond3A_367 = arith.cmpi ne, %convert_element_type3A_365, %cond3A_366 : i32
    scf.if %cond3A_367 {
      %mul3A_368 = arith.constant 8 : i32
      %mul3A_369 = arith.muli %arg1, %mul3A_368 : i32
      %add3A_370 = arith.constant 9984 : i32
      %add3A_371 = arith.addi %add3A_370, %mul3A_369 : i32
      "tpu.region"() ({
        %run_scoped3A = tpu.sem_alloc : memref<!tpu.dma_semaphore, #tpu.memory_space<semaphore_mem>>
        %dma_start3A_372 = arith.constant 0 : i32
        %dma_start3A_373 = tpu.memref_slice %arg5[%arg0, %add3A_371, %dma_start3A_372] : memref<2x10000x128xf32, #tpu.memory_space<hbm>> -> memref<1x8x128xf32, #tpu.memory_space<hbm>>
        %dma_start3A_374 = tpu.memref_squeeze %dma_start3A_373 : memref<1x8x128xf32, #tpu.memory_space<hbm>> -> memref<8x128xf32, #tpu.memory_space<hbm>>
        %dma_start3A_375 = arith.constant 0 : i32
        %dma_start3A_376 = tpu.memref_slice %arg12[%add3A_371, %dma_start3A_375] : memref<10008x128xf32, #tpu.memory_space<vmem_shared>> -> memref<8x128xf32, #tpu.memory_space<vmem_shared>>
        tpu.enqueue_dma source(%dma_start3A_376 : memref<8x128xf32, #tpu.memory_space<vmem_shared>>) target(%dma_start3A_374 : memref<8x128xf32, #tpu.memory_space<hbm>>) target_semaphore(%run_scoped3A : memref<!tpu.dma_semaphore, #tpu.memory_space<semaphore_mem>>)
        %dma_wait3A_377 = arith.constant 0 : i32
        %dma_wait3A_378 = tpu.memref_slice %arg5[%arg0, %add3A_371, %dma_wait3A_377] : memref<2x10000x128xf32, #tpu.memory_space<hbm>> -> memref<1x8x128xf32, #tpu.memory_space<hbm>>
        %dma_wait3A_379 = tpu.memref_squeeze %dma_wait3A_378 : memref<1x8x128xf32, #tpu.memory_space<hbm>> -> memref<8x128xf32, #tpu.memory_space<hbm>>
        %dma_wait3A_380 = arith.constant 0 : i32
        %dma_wait3A_381 = tpu.memref_slice %arg12[%add3A_371, %dma_wait3A_380] : memref<10008x128xf32, #tpu.memory_space<vmem_shared>> -> memref<8x128xf32, #tpu.memory_space<vmem_shared>>
        tpu.wait_dma2 semaphore(%run_scoped3A : memref<!tpu.dma_semaphore, #tpu.memory_space<semaphore_mem>>) src(%dma_wait3A_381 : memref<8x128xf32, #tpu.memory_space<vmem_shared>>) dst(%dma_wait3A_379 : memref<8x128xf32, #tpu.memory_space<hbm>>)
        tpu.yield
      }) : () -> ()
    } else {
    }
    return
  }
}

module attributes {stable_mosaic.version = 14 : i64} {
  func.func @_combine_body(%arg0: i32, %arg1: memref<2x2000x128xf32, #tpu.memory_space<vmem>>, %arg2: memref<2000x1xf32, #tpu.memory_space<vmem>>, %arg3: memref<2000x128xf32, #tpu.memory_space<vmem>>) attributes {dimension_semantics = [#tpu.dimension_semantics<arbitrary>], iteration_bounds = array<i64: 5>, scalar_prefetch = 0 : i64, scratch_operands = 0 : i64, tpu.core_type = #tpu.core_type<tc>, window_params = [{transform_indices = @transform_0, window_bounds = array<i64: 2, 2000, 128>}, {transform_indices = @transform_1, window_bounds = array<i64: 2000, 1>}, {transform_indices = @transform_2, window_bounds = array<i64: 2000, 128>}]} {
    %get3A = arith.constant 0 : index
    %get3A_0 = arith.constant 0 : index
    %get3A_1 = arith.constant 0 : index
    %get3A_2 = vector.load %arg1[%get3A, %get3A_0, %get3A_1] : memref<2x2000x128xf32, #tpu.memory_space<vmem>>, vector<1x2000x128xf32>
    %get3A_3 = vector.shape_cast %get3A_2 : vector<1x2000x128xf32> to vector<2000x128xf32>
    %get3A_4 = arith.constant 1 : index
    %get3A_5 = arith.constant 0 : index
    %get3A_6 = arith.constant 0 : index
    %get3A_7 = vector.load %arg1[%get3A_4, %get3A_5, %get3A_6] : memref<2x2000x128xf32, #tpu.memory_space<vmem>>, vector<1x2000x128xf32>
    %get3A_8 = vector.shape_cast %get3A_7 : vector<1x2000x128xf32> to vector<2000x128xf32>
    %add3A = arith.addf %get3A_3, %get3A_8 : vector<2000x128xf32>
    %get3A_9 = arith.constant 0 : index
    %get3A_10 = arith.constant 0 : index
    %get3A_11 = vector.load %arg2[%get3A_9, %get3A_10] : memref<2000x1xf32, #tpu.memory_space<vmem>>, vector<2000x1xf32>
    %mul3A = vector.broadcast %get3A_11 : vector<2000x1xf32> to vector<2000x128xf32>
    %mul3A_12 = arith.mulf %add3A, %mul3A : vector<2000x128xf32>
    %swap3A = arith.constant 0 : index
    %swap3A_13 = arith.constant 0 : index
    %swap3A_14 = vector.load %arg3[%swap3A, %swap3A_13] : memref<2000x128xf32, #tpu.memory_space<vmem>>, vector<2000x128xf32>
    tpu.vector_store %arg3[%swap3A, %swap3A_13], %mul3A_12 {strides = array<i32>} : memref<2000x128xf32, #tpu.memory_space<vmem>>, vector<2000x128xf32>,
    return
  }
  func.func @transform_0(%arg0: i32) -> (i32, i32, i32) {
    %c0_i32 = arith.constant 0 : i32
    %c0_i32_0 = arith.constant 0 : i32
    %c0_i32_1 = arith.constant 0 : i32
    return %c0_i32, %arg0, %c0_i32_0 : i32, i32, i32
  }
  func.func @transform_1(%arg0: i32) -> (i32, i32) {
    %c0_i32 = arith.constant 0 : i32
    %c0_i32_0 = arith.constant 0 : i32
    return %arg0, %c0_i32 : i32, i32
  }
  func.func @transform_2(%arg0: i32) -> (i32, i32) {
    %c0_i32 = arith.constant 0 : i32
    %c0_i32_0 = arith.constant 0 : i32
    return %arg0, %c0_i32 : i32, i32
  }
}

module attributes {stable_mosaic.version = 14 : i64} {
  func.func @_mm_body(%arg0: i32, %arg1: memref<2000x128xf32, #tpu.memory_space<vmem>>, %arg2: memref<128x128xf32, #tpu.memory_space<vmem>>, %arg3: memref<1x128xf32, #tpu.memory_space<vmem>>, %arg4: memref<2000x1xf32, #tpu.memory_space<vmem>>, %arg5: memref<2000x128xf32, #tpu.memory_space<vmem>>) attributes {dimension_semantics = [#tpu.dimension_semantics<arbitrary>], iteration_bounds = array<i64: 5>, scalar_prefetch = 0 : i64, scratch_operands = 0 : i64, tpu.core_type = #tpu.core_type<tc>, window_params = [{transform_indices = @transform_0, window_bounds = array<i64: 2000, 128>}, {pipeline_mode = #tpu.pipeline_mode<synchronous>, transform_indices = @transform_1, window_bounds = array<i64: 128, 128>}, {pipeline_mode = #tpu.pipeline_mode<synchronous>, transform_indices = @transform_2, window_bounds = array<i64: 1, 128>}, {transform_indices = @transform_3, window_bounds = array<i64: 2000, 1>}, {transform_indices = @transform_4, window_bounds = array<i64: 2000, 128>}]} {
    %get3A = arith.constant 0 : index
    %get3A_0 = arith.constant 0 : index
    %get3A_1 = vector.load %arg1[%get3A, %get3A_0] : memref<2000x128xf32, #tpu.memory_space<vmem>>, vector<2000x128xf32>
    %get3A_2 = arith.constant 0 : index
    %get3A_3 = arith.constant 0 : index
    %get3A_4 = vector.load %arg2[%get3A_2, %get3A_3] : memref<128x128xf32, #tpu.memory_space<vmem>>, vector<128x128xf32>
    %dot_general3A = arith.constant dense<0.000000e+00> : vector<2000x128xf32>
    %dot_general3A_5 = tpu.matmul %get3A_1, %get3A_4, %dot_general3A {dimension_numbers = #tpu.dot_dimension_numbers<[1], [1], [0], [0], [0, 0, 1, 0], [], []>, transpose_lhs_hint = false} : vector<2000x128xf32>, vector<128x128xf32>, vector<2000x128xf32> -> vector<2000x128xf32>
    %get3A_6 = arith.constant 0 : index
    %get3A_7 = arith.constant 0 : index
    %get3A_8 = vector.load %arg3[%get3A_6, %get3A_7] : memref<1x128xf32, #tpu.memory_space<vmem>>, vector<1x128xf32>
    %add3A = vector.broadcast %get3A_8 : vector<1x128xf32> to vector<2000x128xf32>
    %add3A_9 = arith.addf %dot_general3A_5, %add3A : vector<2000x128xf32>
    %get3A_10 = arith.constant 0 : index
    %get3A_11 = arith.constant 0 : index
    %get3A_12 = vector.load %arg4[%get3A_10, %get3A_11] : memref<2000x1xf32, #tpu.memory_space<vmem>>, vector<2000x1xf32>
    %mul3A = vector.broadcast %get3A_12 : vector<2000x1xf32> to vector<2000x128xf32>
    %mul3A_13 = arith.mulf %add3A_9, %mul3A : vector<2000x128xf32>
    %swap3A = arith.constant 0 : index
    %swap3A_14 = arith.constant 0 : index
    %swap3A_15 = vector.load %arg5[%swap3A, %swap3A_14] : memref<2000x128xf32, #tpu.memory_space<vmem>>, vector<2000x128xf32>
    tpu.vector_store %arg5[%swap3A, %swap3A_14], %mul3A_13 {strides = array<i32>} : memref<2000x128xf32, #tpu.memory_space<vmem>>, vector<2000x128xf32>,
    return
  }
  func.func @transform_0(%arg0: i32) -> (i32, i32) {
    %c0_i32 = arith.constant 0 : i32
    %c0_i32_0 = arith.constant 0 : i32
    return %arg0, %c0_i32 : i32, i32
  }
  func.func @transform_1(%arg0: i32) -> (i32, i32) {
    %c0_i32 = arith.constant 0 : i32
    %c0_i32_0 = arith.constant 0 : i32
    %c0_i32_1 = arith.constant 0 : i32
    return %c0_i32, %c0_i32_0 : i32, i32
  }
  func.func @transform_2(%arg0: i32) -> (i32, i32) {
    %c0_i32 = arith.constant 0 : i32
    %c0_i32_0 = arith.constant 0 : i32
    %c0_i32_1 = arith.constant 0 : i32
    return %c0_i32, %c0_i32_0 : i32, i32
  }
  func.func @transform_3(%arg0: i32) -> (i32, i32) {
    %c0_i32 = arith.constant 0 : i32
    %c0_i32_0 = arith.constant 0 : i32
    return %arg0, %c0_i32 : i32, i32
  }
  func.func @transform_4(%arg0: i32) -> (i32, i32) {
    %c0_i32 = arith.constant 0 : i32
    %c0_i32_0 = arith.constant 0 : i32
    return %arg0, %c0_i32 : i32, i32
  }
}

</mosaic_0001>

<sc_bundles>
// kernel: kernel.5.cloned.1.call-start
scs
__scs_entry_jumppad:
0x0: {  	(pc) =	sbr.rel $0x88, $3  }
0x1: {  	(tag) =	ssettag $0x0;
	lr =	simm.s32 $0x1  }
0x2: {  	[smem:$0x3F9B] =	sst lr;
	_ =	strace $0xD0000000  }
0x3: {  	_ = 	snop  }
0x4: {  	_ = 	snop  }
0x5: {  	_ = 	snop  }
0x6: {  	_ = 	snop  }
0x7: {  	_ = 	snop  }
__scs_overlays_trampoline_lowered:
0x8: {  	[smem:$0x3FAA] =	sst s0  }
0x9: {  	[smem:$0x3FAB] =	sst s1  }
0xa: {  	[smem:$0x3FAC] =	sst s2  }
0xb: {  	[smem:$0x3FAD] =	sst s3  }
0xc: {  	[smem:$0x3FAE] =	sst s4  }
0xd: {  	[smem:$0x3FAF] =	sst s5  }
0xe: {  	[smem:$0x3FB0] =	sst s6  }
0xf: {  	[smem:$0x3FB1] =	sst s7  }
0x10: {  	[smem:$0x3FB2] =	sst s8  }
0x11: {  	[smem:$0x3FB3] =	sst s9;
	s0 =	simm.s32 @!p0 $0x0  }
0x12: {  	s1 =	sld [smem:$0x3F99];
	s0 =	simm.s32 @p0 $0x1  }
0x13: {  	[smem:$0x3FB4] =	sst s0;
	s0 =	simm.s32 @!p1 $0x0  }
0x14: {  	s2 =	sld [smem:$0x3F98];
	s0 =	simm.s32 @p1 $0x1  }
0x15: {  	[smem:$0x3FB5] =	sst s0;
	s0 =	simm.s32 @!p2 $0x0  }
0x16: {  	s3 =	sld [smem:$0x3FDB];
	s0 =	simm.s32 @p2 $0x1  }
0x17: {  	s4 =	simm.s32 $0x1BF5;
	[smem:$0x3FB7] =	sst s0  }
0x18: {  	s0 =	sld [smem:$0x3F9A];
	_ =	swait.ge [sflag:s4], $0x0  }
0x19: {  	s7 =	sld [smem:$0x3F9B]  }
0x1a: {  	s8 =	sadd.s32 $0xFFFFE003, lr  }
0x1b: {  	s9 =	sadd.s32 $0xFFFFFEF7, lr;
	s5 =	simm.s32 $0xFFFFFFFF;
	p2 =	slt.u32 s8, $0xFFFFF086  }
0x1c: {  	p1 =	slt.u32 s9, $0xF7A;
	s5 =	simm.s32 @!p2 $0x0  }
0x1d: {  	s5 =	simm.s32 @p1 $0x1;
	p0 =	seq.s32 s7, s2  }
0x1e: {  	s7 =	smul.u32 @!p0 $0xF7A, s2;
	p2 =	seq.s32 @!p0 s5, $0x0  }
0x1f: {  	s9 =	smul.u32 $0xF7A, s1;
	s8 =	simm.s32 @!p0 $0x1BF5;
	p2 =	por !p2, p0  }
0x20: {  	[sflag:s8] =	ssyncset.s32 @!p0 $0xFFFFF086;
	s6 =	sadd.s32 @!p0 s3, s7;
	s7 =	simm.s32 @!p0 $0x108  }
0x21: {  	s3 =	sadd.s32 s3, s9;
	s6 =	sadd.s32 @!p0 $0x88, s6;
	s7 =	simm.s32 @p2 $0x1082  }
0x22: {  	[simem:s7], [sflag:s8] =	dma.local @!p0 [hbm:s6], $0xF7A  }
0x23: {  	s9 =	sor.u32 $0xD0000000, s2;
	s6 =	simm.s32 $0x108;
	_ =	swait.ge @!p0 [sflag:s8], $0x0  }
0x24: {  	s3 =	sadd.s32 $0x88, s3;
	s6 =	simm.s32 @!p1 $0x1082;
	[sflag:s4] =	ssyncset.s32 $0xFFFFF086  }
0x25: {  	[simem:s6], [sflag:s4] =	dma.local [hbm:s3], $0xF7A  }
0x26: {  	[smem:$0x3F9B] =	sst s1;
	(tag) =	ssettag s2;
	_ =	strace s9  }
0x27: {  	s1 =	sld [smem:$0x3FAB]  }
0x28: {  	s2 =	sld [smem:$0x3FAC]  }
0x29: {  	s4 =	sld [smem:$0x3FAE]  }
0x2a: {  	p0 =	seq.s32 s5, $0x0;
	s5 =	sld [smem:$0x3FAF]  }
0x2b: {  	s6 =	sld [smem:$0x3FB0]  }
0x2c: {  	s7 =	sld [smem:$0x3FB1]  }
0x2d: {  	s3 =	simm.s32 $0x108;
	s8 =	sld [smem:$0x3FB2]  }
0x2e: {  	s3 =	simm.s32 @!p0 $0x1082;
	s9 =	sld [smem:$0x3FB3]  }
0x2f: {  	lr =	sadd.s32 s0, s3;
	s0 =	sld [smem:$0x3FAA]  }
0x30: {  	s3 =	sld [smem:$0x3FAD]  }
0x31: {  	[smem:$0x3FB6] =	sst s10  }
0x32: {  	s10 =	sld [smem:$0x3FB4];
	_ =	sdelay $0x3  }
0x33: {  	p0 =	seq.s32 s10, $0x1;
	s10 =	sld [smem:$0x3FB6];
	_ =	sdelay $0x3  }
0x34: {  	[smem:$0x3FB6] =	sst s10  }
0x35: {  	s10 =	sld [smem:$0x3FB5];
	_ =	sdelay $0x3  }
0x36: {  	p1 =	seq.s32 s10, $0x1;
	s10 =	sld [smem:$0x3FB6];
	_ =	sdelay $0x3  }
0x37: {  	[smem:$0x3FB6] =	sst s10  }
0x38: {  	s10 =	sld [smem:$0x3FB7]  }
0x39: {  	_ = 	snop;
	(pc) =	sbr.ind lr, $3  }
0x3a: {  	_ = 	snop  }
0x3b: {  	_ = 	snop  }
0x3c: {  	p2 =	seq.s32 s10, $0x1;
	s10 =	sld [smem:$0x3FB6]  }
0x3d: {  	_ =	shalt  }
0x3e: {  	_ =	shalt  }
0x3f: {  	_ =	shalt  }
0x40: {  	_ =	shalt  }
0x41: {  	_ =	shalt  }
0x42: {  	_ =	shalt  }
0x43: {  	_ =	shalt  }
0x44: {  	_ =	shalt  }
0x45: {  	_ =	shalt  }
0x46: {  	_ =	shalt  }
0x47: {  	_ =	shalt  }
0x48: {  	_ =	shalt  }
0x49: {  	_ =	shalt  }
0x4a: {  	_ =	shalt  }
0x4b: {  	_ =	shalt  }
0x4c: {  	_ =	shalt  }
0x4d: {  	_ =	shalt  }
0x4e: {  	_ =	shalt  }
0x4f: {  	_ =	shalt  }
0x50: {  	_ =	shalt  }
0x51: {  	_ =	shalt  }
0x52: {  	_ =	shalt  }
0x53: {  	_ =	shalt  }
0x54: {  	_ =	shalt  }
0x55: {  	_ =	shalt  }
0x56: {  	_ =	shalt  }
0x57: {  	_ =	shalt  }
0x58: {  	_ =	shalt  }
0x59: {  	_ =	shalt  }
0x5a: {  	_ =	shalt  }
0x5b: {  	_ =	shalt  }
0x5c: {  	_ =	shalt  }
0x5d: {  	_ =	shalt  }
0x5e: {  	_ =	shalt  }
0x5f: {  	_ =	shalt  }
0x60: {  	_ =	shalt  }
0x61: {  	_ =	shalt  }
0x62: {  	_ =	shalt  }
0x63: {  	_ =	shalt  }
0x64: {  	_ =	shalt  }
0x65: {  	_ =	shalt  }
0x66: {  	_ =	shalt  }
0x67: {  	_ =	shalt  }
0x68: {  	_ =	shalt  }
0x69: {  	_ =	shalt  }
0x6a: {  	_ =	shalt  }
0x6b: {  	_ =	shalt  }
0x6c: {  	_ =	shalt  }
0x6d: {  	_ =	shalt  }
0x6e: {  	_ =	shalt  }
0x6f: {  	_ =	shalt  }
0x70: {  	_ =	shalt  }
0x71: {  	_ =	shalt  }
0x72: {  	_ =	shalt  }
0x73: {  	_ =	shalt  }
0x74: {  	_ =	shalt  }
0x75: {  	_ =	shalt  }
0x76: {  	_ =	shalt  }
0x77: {  	_ =	shalt  }
0x78: {  	_ =	shalt  }
0x79: {  	_ =	shalt  }
0x7a: {  	_ =	shalt  }
0x7b: {  	_ =	shalt  }
0x7c: {  	_ =	shalt  }
0x7d: {  	_ =	shalt  }
0x7e: {  	_ =	shalt  }
0x7f: {  	_ =	shalt  }
0x80: {  	_ =	shalt  }
0x81: {  	_ =	shalt  }
0x82: {  	_ =	shalt  }
0x83: {  	_ =	shalt  }
0x84: {  	_ =	shalt  }
0x85: {  	_ =	shalt  }
0x86: {  	_ =	shalt  }
0x87: {  	_ =	shalt  }
.Lfunc_end0:
.L_simem_size_0:
called_computation_lowered:
.L_overlay_start_0:
0x88: {  	s2 =	sld [smem:$0x3FD9]  }
0x89: {  	s3 =	sld [smem:$0x3FFE];
	_ =	sdelay $0x1  }
0x8a: {  	s1 =	srdreg.scid  }
0x8b: {  	s0 =	sand.u32 $0x1, s1  }
0x8c: {  	s17 =	sshll.u32 s0, $0xA;
	s2 =	sadd.s32 s3, s2  }
0x8d: {  	s2 =	sadd.s32 s2, s17  }
0x8e: {  	[smem:$0x3FC2] =	sst s2  }
0x8f: {  	_ = 	snop  }
0x90: {  	s2 =	sld [smem:$0x3FD0];
	(tm) =	ssettm $0x1  }
0x91: {  	s18 =	sld [smem:$0x3FFB];
	_ =	sdelay $0x3  }
0x92: {  	_ =	strace s18  }
0x93: {  	s3 =	sld [smem:$0x3FFC];
	_ =	sdelay $0x3  }
0x94: {  	_ =	strace s3  }
0x95: {  	s3 =	sld [smem:$0x3FFD];
	_ =	sdelay $0x3  }
0x96: {  	_ =	strace s3  }
0x97: {  	_ =	strace $0x8FFFFFFF  }
0x98: {  	s19 =	sld [smem:$0x3FDB];
	_ =	sdelay $0x1  }
0x99: {  	s4 =	simm.s32 $_scs_section_size  }
0x9a: {  	s5 =	simm.s32 $_size__tile_overlayer_lowered;
	s6 =	simm.s32 $_tile_overlayer_lowered  }
0x9b: {  	s22 =	simm.s32 $0x1BFF;
	s21 =	sshll.u32 s6, $0x1;
	s3 =	sadd.s32 s4, s19  }
0x9c: {  	s7 =	simm.s32 $0x0;
	s20 =	sshll.u32 s5, $0x1;
	s5 =	sadd.s32 s21, s3  }
0x9d: {  	[timem:s7], [sflag:s22] =	dma.local [hbm:s5], s20  }
0x9e: {  	_ =	swait.ge [sflag:s22], s20  }
0x9f: {  	s4 =	ssub.s32 $0x0, s20;
	[sflag:s22] =	ssyncset.done $0x0  }
0xa0: {  	[sflag:s22] =	ssyncadd.s32 s4;
	_ =	sdelay $0x1  }
0xa1: {  	s23 =	simm.s32 $0x1B8B  }
0xa2: {  	_ =	swait.ge [sflag:s23], $0x1  }
0xa3: {  	[sflag:s23] =	ssyncset.done $0x0  }
0xa4: {  	s25 =	simm.s32 $0x1B8E;
	s24 =	sld [smem:$0x3FFE];
	[sflag:s23] =	ssyncadd.s32 $0xFFFFFFFF  }
0xa5: {  	s26 =	simm.s32 $execute0_lowered;
	[smem:$0x3FD2] =	sst s25  }
0xa6: {  	s5 =	sshll.u32 s26, $0x1;
	_ =	strace $0x80000046;
	[dreg:$0x1] =	wrdreg $0xFFFFFFFF  }
0xa7: {  	s28 =	simm.s32 $_size_execute0_lowered;
	s3 =	sadd.s32 s3, s5;
	[dreg:$0x0] =	wrdreg $0x0  }
0xa8: {  	s5 =	sshll.u32 s28, $0x1;
	[dreg:$0x2] =	wrdreg s3  }
0xa9: {  	[dreg:$0x3] =	wrdreg s5  }
0xaa: {  	[dreg:$0x4] =	wrdreg $0xC0  }
0xab: {  	_ =	task [dreg:s7], $0x5FFFF  }
0xac: {  	[dreg:$0x1] =	wrdreg $0xFFFFFFFF  }
0xad: {  	[dreg:$0x0] =	wrdreg $0x60  }
0xae: {  	[dreg:$0x2] =	wrdreg s2  }
0xaf: {  	[dreg:$0x3] =	wrdreg s24  }
0xb0: {  	[dreg:$0x4] =	wrdreg $0xA9000  }
0xb1: {  	[dreg:$0x5] =	wrdreg $0x9  }
0xb2: {  	_ =	task.clear_ibuf [dreg:s7], $0x6FFFF;
	_ =	strace $0x90000046  }
0xb3: {  	s29 =	simm.s32 $0x9;
	_ =	strace $0x80000048  }
0xb4: {  	_ =	swait.ge [sflag:s29], $0x1  }
0xb5: {  	[sflag:s29] =	ssyncadd.s32 $0xFFFFFFFF  }
0xb6: {  	_ =	strace $0x90000048  }
0xb7: {  	_ =	sfence  }
0xb8: {  	s30 =	sld [smem:$0x0];
	_ =	sdelay $0x2  }
0xb9: {  	s31 =	sshll.u32 s1, $0xD;
	s1 =	sshrl.u32 s1, $0x2  }
0xba: {  	s3 =	sand.u32 $0x4000, s31;
	s1 =	sadd.s32 s1, s30  }
0xbb: {  	s0 =	sor.u32 s3, s0;
	s1 =	sshll.u32 s1, $0x11  }
0xbc: {  	s0 =	sor.u32 s1, s0  }
0xbd: {  	s0 =	sadd.s32 $0x8F2B, s0  }
0xbe: {  	[sflag:s0] =	ssyncadd.remote.s32 $0x1  }
0xbf: {  	_ =	sfence.sel $0xFFFF  }
0xc0: {  	[dreg:$0x0] =	wrdreg $0xFFFFFFFF;
	(pc) =	sbr.abs _section_cstart, $3  }
0xc1: {  	[dreg:$0x1] =	wrdreg $0xFFFFFFFF  }
0xc2: {  	_ =	task.clear_ibuf [dreg:s7], $0x2FFFF;
	_ =	strace $0x9FFFFFFF  }
0xc3: {  	(tm) =	ssettm $0x7FFFFFFF  }
tec
execute0_lowered:
.L_overlay_start_1:
0x0: {  	(tag) =	ssettag $0x1  }
0x1: {  	s1 =	rddreg [dreg:$0x0]  }
0x2: {  	s0 =	rddreg [dreg:$0x1]  }
0x3: {  	s3 =	rddreg [dreg:$0x2]  }
0x4: {  	s2 =	srdreg.scid;
	s21 =	stileid.u32  }
0x5: {  	s4 =	simm.s32 $0x0;
	s28 =	simm.s32 $0x80;
	s29 =	simm.s32 $0x6900  }
0x6: {  	s30 =	simm.s32 $0x2800;
	s31 =	simm.s32 $0x6;
	s2 =	sand.u32 $0x1, s2  }
0x7: {  	s5 =	sshll.u32 s21, $0x1;
	[smem:$0x7FF] =	sst s4;
	s6 =	sadd.s32 $0xB000, s0  }
0x8: {  	s8 =	sadd.s32 $0x1200, s0;
	s0 =	sadd.s32 $0x14E00, s0;
	s12 =	smul.u32 $0x4E000, s21  }
0x9: {  	s5 =	sor.u32 s2, s5;
	s9 =	ssub.s32 $0x2, s2;
	s2 =	smul.u32 $0x138800, s2  }
0xa: {  	s20 =	sshll.u32 s21, $0xA;
	_ =	strace $0x80000047;
	s10 =	smul.u32 $0x48, s5  }
0xb: {  	s23 =	sadd.s32 s20, s3;
	s24 =	sor.u32 $0x138000, s20;
	s7 =	smul.u32 $0x50, s5  }
0xc: {  	s20 =	simm.s32 $0x1400;
	p0 =	slt.u32 s5, $0x19;
	s5 =	sadd.s32 $0xC8, s10  }
0xd: {  	s11 =	sshrl.u32 s9, $0x1;
	s13 =	sshrl.u32 s12, $0x2;
	s5 =	smov.u32 @p0 s7  }
0xe: {  	s12 =	sadd.s32 $0x138000, s23;
	s23 =	simm.s32 $0x2;
	s14 =	sshll.u32 s5, $0x4  }
0xf: {  	s9 =	ssub.s32 s9, s11;
	[dreg:$0xa] =	wrdreg s12;
	s15 =	sadd.s32 s6, s14  }
0x10: {  	s5 =	sadd.s32 s13, s3;
	s16 =	sadd.s32 s8, s14;
	[dreg:$0x4] =	wrdreg s15  }
0x11: {  	s7 =	simm.s32 $0x50;
	s17 =	sadd.s32 $0x4000, s5;
	[dreg:$0x5] =	wrdreg s16  }
0x12: {  	s7 =	simm.s32 @!p0 $0x48;
	s18 =	sadd.s32 $0x8000, s5;
	[dreg:$0x6] =	wrdreg s17  }
0x13: {  	p0 =	sgt.u32 s21, $0x1;
	s19 =	sadd.s32 $0xC000, s5;
	[dreg:$0x7] =	wrdreg s18  }
0x14: {  	s22 =	sadd.s32 $0x10000, s5;
	s11 =	sadd.s32 $0x280, s14;
	[dreg:$0x8] =	wrdreg s19  }
0x15: {  	s25 =	sadd.s32 $0xFFFFFFD8, s7;
	s12 =	sadd.s32 $0xFFFFFFD7, s7;
	[dreg:$0x9] =	wrdreg s22  }
0x16: {  	s15 =	smul.u32 $0x13800, s21;
	s13 =	sadd.s32 s6, s11;
	s14 =	sadd.s32 s8, s11  }
0x17: {  	s8 =	sshrl.u32 s25, $0x1;
	s18 =	smax.u32 s9, $0x1;
	s21 =	simm.s32 $0x2900  }
0x18: {  	s22 =	simm.s32 $0x1;
	s6 =	simm.s32 $0x0;
	s26 =	sadd.s32 s15, s2  }
0x19: {  	s19 =	sadd.s32 $0xFFFFFFFF, s8;
	s2 =	sadd.s32 s2, s24;
	s10 =	sshrl.u32 s26, $0x3  }
0x1a: {  	s2 =	sshrl.u32 s2, $0x3;
	s26 =	simm.s32 $0x4;
	s16 =	sadd.s32 s0, s10  }
0x1b: {  	s17 =	sadd.s32 s0, s2;
	s0 =	sadd.s32 s24, s3;
	s24 =	simm.s32 $0x3  }
0x1c: {  	v0 =	vimm.f32 $0.0e+00;
	s2 =	simm.s32 $0x1380;
	s25 =	sshrl.u32 @!p0 s0, $0x3;
	s0 =	simm.s32 $0x2880  }
.LBB2_1:
0x1d: {  	s7 =	rddreg [dreg:$0x4]  }
0x1e: {  	[tilespmem:s4], [sflag:$0x3] =	stream.linear.gather [hbm4b:s7+s4], $0x1400, $0x38;
	[tilespmem:$0x1E1C0] =	vst v63  }
0x1f: {  	s15 =	rddreg [dreg:$0x5];
	s8 =	simm.s32 $0x200;
	s7 =	simm.s32 $0x0  }
0x20: {  	[tilespmem:s20], [sflag:$0x4] =	stream.linear.gather [hbm4b:s15+s4], $0x1400, $0x38;
	[tilespmem:$0x1E1C0] =	vst v63  }
.LBB2_2:
0x21: {  	p1 =	sne.s32 s8, $0xFE00;
	[tilespmem:s7+$0x2970] =	vst v0  }
0x22: {  	[tilespmem:s7+$0x2900] =	vst v0  }
0x23: {  	[tilespmem:s7+$0x2910] =	vst v0  }
.Ltmp0:
0x24: {  	[tilespmem:s7+$0x2920] =	vst v0;
	(pc) =	sbr.rel @p1 .LBB2_2-.Ltmp0, $4  }
0x25: {  	[tilespmem:s7+$0x2930] =	vst v0  }
0x26: {  	[tilespmem:s7+$0x2940] =	vst v0  }
0x27: {  	[tilespmem:s7+$0x2950] =	vst v0  }
0x28: {  	[tilespmem:s7+$0x2960] =	vst v0;
	s7 =	sshra.s32 s8, $0x2;
	s8 =	sadd.s32 $0x200, s8  }
0x29: {  	[tilespmem:s7+$0x2970] =	vst v0  }
0x2a: {  	[tilespmem:s7+$0x2900] =	vst v0  }
0x2b: {  	[tilespmem:s7+$0x2910] =	vst v0  }
0x2c: {  	[tilespmem:s7+$0x2920] =	vst v0  }
0x2d: {  	[tilespmem:s7+$0x2930] =	vst v0  }
0x2e: {  	[tilespmem:s7+$0x2940] =	vst v0  }
0x2f: {  	[tilespmem:s7+$0x2950] =	vst v0  }
0x30: {  	[tilespmem:s7+$0x2960] =	vst v0  }
0x31: {  	[spmem:s5] =	stream.linear.scatter [tilespmem:s21], [sflag:$0x1], $0x4000, $0x38;
	[tilespmem:$0x1E1C0] =	vst v63  }
0x32: {  	s10 =	rddreg [dreg:$0x6]  }
0x33: {  	[spmem:s10] =	stream.linear.scatter [tilespmem:s21], [sflag:$0x1], $0x4000, $0x38;
	[tilespmem:$0x1E1C0] =	vst v63  }
0x34: {  	s11 =	rddreg [dreg:$0x7]  }
0x35: {  	[spmem:s11] =	stream.linear.scatter [tilespmem:s21], [sflag:$0x1], $0x4000, $0x38;
	[tilespmem:$0x1E1C0] =	vst v63  }
0x36: {  	s15 =	rddreg [dreg:$0x8]  }
0x37: {  	[spmem:s15] =	stream.linear.scatter [tilespmem:s21], [sflag:$0x1], $0x4000, $0x38;
	[tilespmem:$0x1E1C0] =	vst v63  }
0x38: {  	s8 =	rddreg [dreg:$0x9]  }
0x39: {  	[spmem:s8] =	stream.linear.scatter [tilespmem:s21], [sflag:$0x2], $0x3800, $0x38;
	[tilespmem:$0x1E1C0] =	vst v63  }
0x3a: {  	s7 =	simm.s32 @!p0 $0x2900;
	s8 =	rddreg [dreg:$0xa]  }
0x3b: {  	[spmem:s8] =	stream.linear.scatter @!p0 [tilespmem:s7], [sflag:$0x5], $0x400, $0x38;
	[tilespmem:$0x1E1C0] =	vst v63  }
0x3c: {  	s7 =	simm.s32 @!p0 $0x5  }
0x3d: {  	_ =	swait.ge @!p0 [sflag:s7], $0x400  }
0x3e: {  	[sflag:s7] =	ssyncset.done @!p0 $0x0  }
0x3f: {  	[sflag:s7] =	ssyncadd.s32 @!p0 $0xFFFFFC00  }
0x40: {  	_ =	swait.ge [sflag:s22], $0x4000  }
0x41: {  	[sflag:s22] =	ssyncset.done $0x0  }
0x42: {  	[sflag:s22] =	ssyncadd.s32 $0xFFFFC000  }
0x43: {  	_ =	swait.ge [sflag:s22], $0x4000  }
0x44: {  	[sflag:s22] =	ssyncset.done $0x0  }
0x45: {  	[sflag:s22] =	ssyncadd.s32 $0xFFFFC000  }
0x46: {  	_ =	swait.ge [sflag:s22], $0x4000  }
0x47: {  	[sflag:s22] =	ssyncset.done $0x0  }
0x48: {  	[sflag:s22] =	ssyncadd.s32 $0xFFFFC000  }
0x49: {  	_ =	swait.ge [sflag:s22], $0x4000  }
0x4a: {  	[sflag:s22] =	ssyncset.done $0x0  }
0x4b: {  	[sflag:s22] =	ssyncadd.s32 $0xFFFFC000  }
0x4c: {  	_ =	swait.ge [sflag:s23], $0x3800  }
0x4d: {  	[sflag:s23] =	ssyncset.done $0x0  }
0x4e: {  	[sflag:s23] =	ssyncadd.s32 $0xFFFFC800  }
0x4f: {  	[bflag:$0x0] =	sbarrier.arrive $0xFFFF  }
0x50: {  	_ =	swait.ge [sflag:s24], $0x1400  }
0x51: {  	[sflag:s24] =	ssyncset.done $0x0  }
0x52: {  	[sflag:s24] =	ssyncadd.s32 $0xFFFFEC00  }
0x53: {  	_ =	swait.ge [sflag:s26], $0x1400  }
0x54: {  	[sflag:s26] =	ssyncset.done $0x0  }
0x55: {  	s9 =	simm.s32 $0x0;
	[sflag:s26] =	ssyncadd.s32 $0xFFFFEC00  }
0x56: {  	[tilespmem:s21], [sflag:$0x1] =	stream.indirect.gather [hbm4b:s1+s28], $0x80, s9, s28, $0xb8;
	[tilespmem:$0x1E1C0] =	vst v63  }
0x57: {  	v1 =	vld [tilespmem:$0x1400]  }
0x58: {  	v2 =	vld [tilespmem:$0x1410]  }
0x59: {  	v3 =	vld [tilespmem:$0x1420]  }
0x5a: {  	v4 =	vld [tilespmem:$0x1430]  }
0x5b: {  	v5 =	vld [tilespmem:$0x1440]  }
0x5c: {  	[tilespmem:$0x2800] =	vst v1;
	v1 =	vld [tilespmem:$0x1450]  }
0x5d: {  	[tilespmem:$0x2810] =	vst v2;
	v2 =	vld [tilespmem:$0x1460]  }
0x5e: {  	[tilespmem:$0x2820] =	vst v3;
	v3 =	vld [tilespmem:$0x1470]  }
0x5f: {  	[tilespmem:$0x2830] =	vst v4  }
0x60: {  	[tilespmem:$0x2840] =	vst v5  }
0x61: {  	[tilespmem:$0x2850] =	vst v1  }
0x62: {  	[tilespmem:$0x2860] =	vst v2  }
0x63: {  	s10 =	simm.s32 $0x0;
	s11 =	simm.s32 $0x80;
	[tilespmem:$0x2870] =	vst v3  }
0x64: {  	[tilespmem:s29], [sflag:$0x2] =	stream.indirect.gather [hbm4b:s1+s28], $0x80, s11, s28, $0xb8;
	[tilespmem:$0x1E1C0] =	vst v63  }
0x65: {  	v1 =	vld [tilespmem:s10+$0x1480];
	_ =	sdelay $0x4  }
0x66: {  	[tilespmem:$0x2880] =	vst v1  }
0x67: {  	v1 =	vld [tilespmem:s10+$0x1490];
	_ =	sdelay $0x4  }
0x68: {  	[tilespmem:$0x2890] =	vst v1  }
0x69: {  	v1 =	vld [tilespmem:s10+$0x14A0];
	_ =	sdelay $0x4  }
0x6a: {  	[tilespmem:$0x28A0] =	vst v1  }
0x6b: {  	v1 =	vld [tilespmem:s10+$0x14B0];
	_ =	sdelay $0x4  }
0x6c: {  	[tilespmem:$0x28B0] =	vst v1  }
0x6d: {  	v1 =	vld [tilespmem:s10+$0x14C0];
	_ =	sdelay $0x4  }
0x6e: {  	[tilespmem:$0x28C0] =	vst v1  }
0x6f: {  	v1 =	vld [tilespmem:s10+$0x14D0];
	_ =	sdelay $0x4  }
0x70: {  	[tilespmem:$0x28D0] =	vst v1  }
0x71: {  	v1 =	vld [tilespmem:s10+$0x14E0];
	_ =	sdelay $0x4  }
0x72: {  	[tilespmem:$0x28E0] =	vst v1  }
0x73: {  	v1 =	vld [tilespmem:s10+$0x14F0];
	_ =	sdelay $0x4  }
0x74: {  	[tilespmem:$0x28F0] =	vst v1  }
0x75: {  	_ =	swait.ge [sflag:s22], $0x4000  }
0x76: {  	[sflag:s22] =	ssyncset.done $0x0  }
0x77: {  	[sflag:s22] =	ssyncadd.s32 $0xFFFFC000  }
0x78: {  	[spmem:s3] =	stream.indirect.scatter.add.f32 [tilespmem:s21], [sflag:$0x6], $0x80, s30, s28, $0xb8;
	[tilespmem:$0x1E1C0] =	vst v63  }
0x79: {  	_ =	swait.ge [sflag:s31], $0x4000  }
0x7a: {  	[sflag:s31] =	ssyncset.done $0x0  }
0x7b: {  	s15 =	simm.s32 $0x100;
	[sflag:s31] =	ssyncadd.s32 $0xFFFFC000  }
0x7c: {  	[tilespmem:s21], [sflag:$0x1] =	stream.indirect.gather [hbm4b:s1+s28], $0x80, s15, s28, $0xb8;
	[tilespmem:$0x1E1C0] =	vst v63  }
0x7d: {  	v1 =	vld [tilespmem:s10+$0x1500];
	_ =	sdelay $0x4  }
0x7e: {  	[tilespmem:$0x2800] =	vst v1  }
0x7f: {  	v1 =	vld [tilespmem:s10+$0x1510];
	_ =	sdelay $0x4  }
0x80: {  	[tilespmem:$0x2810] =	vst v1  }
0x81: {  	v1 =	vld [tilespmem:s10+$0x1520];
	_ =	sdelay $0x4  }
0x82: {  	[tilespmem:$0x2820] =	vst v1  }
0x83: {  	v1 =	vld [tilespmem:s10+$0x1530];
	_ =	sdelay $0x4  }
0x84: {  	[tilespmem:$0x2830] =	vst v1  }
0x85: {  	v1 =	vld [tilespmem:s10+$0x1540];
	_ =	sdelay $0x4  }
0x86: {  	[tilespmem:$0x2840] =	vst v1  }
0x87: {  	v1 =	vld [tilespmem:s10+$0x1550];
	_ =	sdelay $0x4  }
0x88: {  	[tilespmem:$0x2850] =	vst v1  }
0x89: {  	v1 =	vld [tilespmem:s10+$0x1560];
	_ =	sdelay $0x4  }
0x8a: {  	[tilespmem:$0x2860] =	vst v1  }
0x8b: {  	v1 =	vld [tilespmem:s10+$0x1570];
	_ =	sdelay $0x4  }
0x8c: {  	[tilespmem:$0x2870] =	vst v1  }
0x8d: {  	_ =	swait.ge [sflag:s23], $0x4000  }
0x8e: {  	[sflag:s23] =	ssyncset.done $0x0  }
0x8f: {  	[sflag:s23] =	ssyncadd.s32 $0xFFFFC000  }
0x90: {  	[spmem:s3] =	stream.indirect.scatter.add.f32 [tilespmem:s29], [sflag:$0x6], $0x80, s0, s28, $0xb8;
	[tilespmem:$0x1E1C0] =	vst v63  }
0x91: {  	_ =	swait.ge [sflag:s31], $0x4000  }
0x92: {  	s7 =	simm.s32 $0x100;
	s10 =	simm.s32 $0x800;
	[sflag:s31] =	ssyncset.done $0x0  }
.LBB2_4:
0x93: {  	s11 =	sadd.s32 $0x80, s7  }
0x94: {  	[sflag:s31] =	ssyncadd.s32 $0xFFFFC000;
	s9 =	smov.u32 s10;
	s8 =	sadd.s32 $0x400, s10  }
0x95: {  	[tilespmem:s29], [sflag:$0x2] =	stream.indirect.gather [hbm4b:s1+s28], $0x80, s11, s28, $0xb8;
	[tilespmem:$0x1E1C0] =	vst v63  }
0x96: {  	p1 =	sne.s32 s10, $0x4800;
	v1 =	vld [tilespmem:s7+$0x1480];
	_ =	sdelay $0x4  }
0x97: {  	[tilespmem:$0x2880] =	vst v1  }
0x98: {  	v1 =	vld [tilespmem:s7+$0x1490];
	_ =	sdelay $0x4  }
0x99: {  	[tilespmem:$0x2890] =	vst v1  }
0x9a: {  	v1 =	vld [tilespmem:s7+$0x14A0];
	_ =	sdelay $0x4  }
0x9b: {  	[tilespmem:$0x28A0] =	vst v1  }
0x9c: {  	v1 =	vld [tilespmem:s7+$0x14B0];
	_ =	sdelay $0x4  }
0x9d: {  	[tilespmem:$0x28B0] =	vst v1  }
0x9e: {  	v1 =	vld [tilespmem:s7+$0x14C0];
	_ =	sdelay $0x4  }
0x9f: {  	[tilespmem:$0x28C0] =	vst v1  }
0xa0: {  	v1 =	vld [tilespmem:s7+$0x14D0];
	_ =	sdelay $0x4  }
0xa1: {  	[tilespmem:$0x28D0] =	vst v1  }
0xa2: {  	v1 =	vld [tilespmem:s7+$0x14E0];
	_ =	sdelay $0x4  }
0xa3: {  	[tilespmem:$0x28E0] =	vst v1  }
0xa4: {  	v1 =	vld [tilespmem:s7+$0x14F0];
	_ =	sdelay $0x4  }
0xa5: {  	[tilespmem:$0x28F0] =	vst v1  }
0xa6: {  	_ =	swait.ge [sflag:s22], $0x4000  }
0xa7: {  	[sflag:s22] =	ssyncset.done $0x0  }
0xa8: {  	[sflag:s22] =	ssyncadd.s32 $0xFFFFC000  }
0xa9: {  	[spmem:s3] =	stream.indirect.scatter.add.f32 [tilespmem:s21], [sflag:$0x6], $0x80, s30, s28, $0xb8;
	[tilespmem:$0x1E1C0] =	vst v63  }
0xaa: {  	_ =	swait.ge [sflag:s31], $0x4000  }
0xab: {  	[sflag:s31] =	ssyncset.done $0x0  }
0xac: {  	s10 =	sadd.s32 $0x100, s7;
	[sflag:s31] =	ssyncadd.s32 $0xFFFFC000  }
0xad: {  	[tilespmem:s21], [sflag:$0x1] =	stream.indirect.gather [hbm4b:s1+s28], $0x80, s10, s28, $0xb8;
	[tilespmem:$0x1E1C0] =	vst v63  }
0xae: {  	v1 =	vld [tilespmem:s7+$0x1500];
	_ =	sdelay $0x4  }
0xaf: {  	[tilespmem:$0x2800] =	vst v1  }
0xb0: {  	v1 =	vld [tilespmem:s7+$0x1510];
	_ =	sdelay $0x4  }
0xb1: {  	[tilespmem:$0x2810] =	vst v1  }
0xb2: {  	v1 =	vld [tilespmem:s7+$0x1520];
	_ =	sdelay $0x4  }
0xb3: {  	[tilespmem:$0x2820] =	vst v1  }
0xb4: {  	v1 =	vld [tilespmem:s7+$0x1530];
	_ =	sdelay $0x4  }
0xb5: {  	[tilespmem:$0x2830] =	vst v1  }
0xb6: {  	v1 =	vld [tilespmem:s7+$0x1540];
	_ =	sdelay $0x4  }
0xb7: {  	[tilespmem:$0x2840] =	vst v1  }
0xb8: {  	v1 =	vld [tilespmem:s7+$0x1550];
	_ =	sdelay $0x4  }
0xb9: {  	[tilespmem:$0x2850] =	vst v1  }
0xba: {  	v1 =	vld [tilespmem:s7+$0x1560];
	_ =	sdelay $0x4  }
0xbb: {  	[tilespmem:$0x2860] =	vst v1  }
0xbc: {  	v1 =	vld [tilespmem:s7+$0x1570];
	_ =	sdelay $0x4  }
0xbd: {  	[tilespmem:$0x2870] =	vst v1  }
0xbe: {  	_ =	swait.ge [sflag:s23], $0x4000  }
.Ltmp1:
0xbf: {  	[sflag:s23] =	ssyncset.done $0x0;
	(pc) =	sbr.rel @p1 .LBB2_4-.Ltmp1, $4  }
0xc0: {  	[sflag:s23] =	ssyncadd.s32 $0xFFFFC000  }
0xc1: {  	[spmem:s3] =	stream.indirect.scatter.add.f32 [tilespmem:s29], [sflag:$0x6], $0x80, s0, s28, $0xb8;
	[tilespmem:$0x1E1C0] =	vst v63  }
0xc2: {  	_ =	swait.ge [sflag:s31], $0x4000  }
0xc3: {  	s10 =	smov.u32 s8;
	s7 =	sshra.s32 s9, $0x2;
	[sflag:s31] =	ssyncset.done $0x0  }
0xc4: {  	s8 =	sadd.s32 $0x80, s7;
	[sflag:s31] =	ssyncadd.s32 $0xFFFFC000  }
0xc5: {  	[tilespmem:s29], [sflag:$0x2] =	stream.indirect.gather [hbm4b:s1+s28], $0x80, s8, s28, $0xb8;
	[tilespmem:$0x1E1C0] =	vst v63  }
0xc6: {  	v1 =	vld [tilespmem:s7+$0x1480];
	_ =	sdelay $0x4  }
0xc7: {  	[tilespmem:$0x2880] =	vst v1  }
0xc8: {  	v1 =	vld [tilespmem:s7+$0x1490];
	_ =	sdelay $0x4  }
0xc9: {  	[tilespmem:$0x2890] =	vst v1  }
0xca: {  	v1 =	vld [tilespmem:s7+$0x14A0];
	_ =	sdelay $0x4  }
0xcb: {  	[tilespmem:$0x28A0] =	vst v1  }
0xcc: {  	v1 =	vld [tilespmem:s7+$0x14B0];
	_ =	sdelay $0x4  }
0xcd: {  	[tilespmem:$0x28B0] =	vst v1  }
0xce: {  	v1 =	vld [tilespmem:s7+$0x14C0];
	_ =	sdelay $0x4  }
0xcf: {  	[tilespmem:$0x28C0] =	vst v1  }
0xd0: {  	v1 =	vld [tilespmem:s7+$0x14D0];
	_ =	sdelay $0x4  }
0xd1: {  	[tilespmem:$0x28D0] =	vst v1  }
0xd2: {  	v1 =	vld [tilespmem:s7+$0x14E0];
	_ =	sdelay $0x4  }
0xd3: {  	[tilespmem:$0x28E0] =	vst v1  }
0xd4: {  	v1 =	vld [tilespmem:s7+$0x14F0];
	_ =	sdelay $0x4  }
0xd5: {  	[tilespmem:$0x28F0] =	vst v1  }
0xd6: {  	_ =	swait.ge [sflag:s22], $0x4000  }
0xd7: {  	[sflag:s22] =	ssyncset.done $0x0  }
0xd8: {  	[sflag:s22] =	ssyncadd.s32 $0xFFFFC000  }
0xd9: {  	[spmem:s3] =	stream.indirect.scatter.add.f32 [tilespmem:s21], [sflag:$0x6], $0x80, s30, s28, $0xb8;
	[tilespmem:$0x1E1C0] =	vst v63  }
0xda: {  	_ =	swait.ge [sflag:s31], $0x4000  }
0xdb: {  	[sflag:s31] =	ssyncset.done $0x0  }
0xdc: {  	s15 =	sadd.s32 $0x100, s7;
	[sflag:s31] =	ssyncadd.s32 $0xFFFFC000  }
0xdd: {  	[tilespmem:s21], [sflag:$0x1] =	stream.indirect.gather [hbm4b:s1+s28], $0x80, s15, s28, $0xb8;
	[tilespmem:$0x1E1C0] =	vst v63  }
0xde: {  	v1 =	vld [tilespmem:s7+$0x1500];
	_ =	sdelay $0x4  }
0xdf: {  	[tilespmem:$0x2800] =	vst v1  }
0xe0: {  	v1 =	vld [tilespmem:s7+$0x1510];
	_ =	sdelay $0x4  }
0xe1: {  	[tilespmem:$0x2810] =	vst v1  }
0xe2: {  	v1 =	vld [tilespmem:s7+$0x1520];
	_ =	sdelay $0x4  }
0xe3: {  	[tilespmem:$0x2820] =	vst v1  }
0xe4: {  	v1 =	vld [tilespmem:s7+$0x1530];
	_ =	sdelay $0x4  }
0xe5: {  	[tilespmem:$0x2830] =	vst v1  }
0xe6: {  	v1 =	vld [tilespmem:s7+$0x1540];
	_ =	sdelay $0x4  }
0xe7: {  	[tilespmem:$0x2840] =	vst v1  }
0xe8: {  	v1 =	vld [tilespmem:s7+$0x1550];
	_ =	sdelay $0x4  }
0xe9: {  	[tilespmem:$0x2850] =	vst v1  }
0xea: {  	v1 =	vld [tilespmem:s7+$0x1560];
	_ =	sdelay $0x4  }
0xeb: {  	[tilespmem:$0x2860] =	vst v1  }
0xec: {  	v1 =	vld [tilespmem:s7+$0x1570];
	_ =	sdelay $0x4  }
0xed: {  	[tilespmem:$0x2870] =	vst v1  }
0xee: {  	_ =	swait.ge [sflag:s23], $0x4000  }
0xef: {  	[sflag:s23] =	ssyncset.done $0x0  }
0xf0: {  	[sflag:s23] =	ssyncadd.s32 $0xFFFFC000  }
0xf1: {  	[spmem:s3] =	stream.indirect.scatter.add.f32 [tilespmem:s29], [sflag:$0x6], $0x80, s0, s28, $0xb8;
	[tilespmem:$0x1E1C0] =	vst v63  }
0xf2: {  	_ =	swait.ge [sflag:s31], $0x4000  }
0xf3: {  	[sflag:s31] =	ssyncset.done $0x0  }
0xf4: {  	s7 =	simm.s32 $0x80;
	[sflag:s31] =	ssyncadd.s32 $0xFFFFC000  }
0xf5: {  	[tilespmem:s29], [sflag:$0x2] =	stream.indirect.gather [hbm4b:s1+s7], $0x80, s2, s7, $0xb8;
	[tilespmem:$0x1E1C0] =	vst v63  }
0xf6: {  	v1 =	vld [tilespmem:$0x2780]  }
0xf7: {  	v2 =	vld [tilespmem:$0x2790]  }
0xf8: {  	v3 =	vld [tilespmem:$0x27A0]  }
0xf9: {  	v4 =	vld [tilespmem:$0x27B0]  }
0xfa: {  	v5 =	vld [tilespmem:$0x27C0]  }
0xfb: {  	[tilespmem:$0x2880] =	vst v1;
	v1 =	vld [tilespmem:$0x27D0]  }
0xfc: {  	[tilespmem:$0x2890] =	vst v2;
	v2 =	vld [tilespmem:$0x27E0]  }
0xfd: {  	[tilespmem:$0x28A0] =	vst v3;
	v3 =	vld [tilespmem:$0x27F0]  }
0xfe: {  	[tilespmem:$0x28B0] =	vst v4  }
0xff: {  	[tilespmem:$0x28C0] =	vst v5  }
0x100: {  	[tilespmem:$0x28D0] =	vst v1  }
0x101: {  	[tilespmem:$0x28E0] =	vst v2  }
0x102: {  	[tilespmem:$0x28F0] =	vst v3  }
0x103: {  	_ =	swait.ge [sflag:s22], $0x4000  }
0x104: {  	[sflag:s22] =	ssyncset.done $0x0  }
0x105: {  	[sflag:s22] =	ssyncadd.s32 $0xFFFFC000  }
0x106: {  	[spmem:s3] =	stream.indirect.scatter.add.f32 [tilespmem:s21], [sflag:$0x6], $0x80, s30, s7, $0xb8;
	[tilespmem:$0x1E1C0] =	vst v63  }
0x107: {  	_ =	swait.ge [sflag:s31], $0x4000  }
0x108: {  	[sflag:s31] =	ssyncset.done $0x0  }
0x109: {  	[sflag:s31] =	ssyncadd.s32 $0xFFFFC000  }
0x10a: {  	[tilespmem:s21], [sflag:$0x1] =	stream.indirect.gather [hbm4b:s1+s7], $0x80, s2, s7, $0xb8;
	[tilespmem:$0x1E1C0] =	vst v63  }
0x10b: {  	v1 =	vld [tilespmem:$0x2780]  }
0x10c: {  	v2 =	vld [tilespmem:$0x2790]  }
0x10d: {  	v3 =	vld [tilespmem:$0x27A0]  }
0x10e: {  	v60 =	vld [tilespmem:$0x27B0]  }
0x10f: {  	v61 =	vld [tilespmem:$0x27C0]  }
0x110: {  	[tilespmem:$0x2800] =	vst v1;
	v1 =	vld [tilespmem:$0x27D0]  }
0x111: {  	[tilespmem:$0x2810] =	vst v2;
	v2 =	vld [tilespmem:$0x27E0]  }
0x112: {  	[tilespmem:$0x2820] =	vst v3;
	v3 =	vld [tilespmem:$0x27F0]  }
0x113: {  	[tilespmem:$0x2830] =	vst v60  }
0x114: {  	[tilespmem:$0x2840] =	vst v61  }
0x115: {  	[tilespmem:$0x2850] =	vst v1  }
0x116: {  	[tilespmem:$0x2860] =	vst v2  }
0x117: {  	s8 =	simm.s32 $0x2;
	[tilespmem:$0x2870] =	vst v3  }
0x118: {  	_ =	swait.ge [sflag:s8], $0x4000  }
0x119: {  	[sflag:s8] =	ssyncset.done $0x0  }
0x11a: {  	[sflag:s8] =	ssyncadd.s32 $0xFFFFC000  }
0x11b: {  	[spmem:s3] =	stream.indirect.scatter.add.f32 [tilespmem:s29], [sflag:$0x6], $0x80, s0, s7, $0xb8;
	[tilespmem:$0x1E1C0] =	vst v63  }
0x11c: {  	_ =	swait.ge [sflag:s31], $0x4000  }
0x11d: {  	[sflag:s31] =	ssyncset.done $0x0  }
0x11e: {  	[sflag:s31] =	ssyncadd.s32 $0xFFFFC000  }
0x11f: {  	_ =	swait.ge [sflag:s22], $0x4000  }
0x120: {  	[sflag:s22] =	ssyncset.done $0x0  }
0x121: {  	[sflag:s22] =	ssyncadd.s32 $0xFFFFC000  }
0x122: {  	[tilespmem:s4], [sflag:$0x3] =	stream.linear.gather [hbm4b:s13+s4], $0x1400, $0x38;
	[tilespmem:$0x1E1C0] =	vst v63  }
0x123: {  	_ = 	snop  }
0x124: {  	[tilespmem:s20], [sflag:$0x4] =	stream.linear.gather [hbm4b:s14+s4], $0x1400, $0x38;
	[tilespmem:$0x1E1C0] =	vst v63  }
0x125: {  	_ =	swait.ge [sflag:s24], $0x1400  }
0x126: {  	[sflag:s24] =	ssyncset.done $0x0  }
0x127: {  	[sflag:s24] =	ssyncadd.s32 $0xFFFFEC00  }
0x128: {  	_ =	swait.ge [sflag:s26], $0x1400  }
0x129: {  	[sflag:s26] =	ssyncset.done $0x0  }
0x12a: {  	[sflag:s26] =	ssyncadd.s32 $0xFFFFEC00  }
0x12b: {  	[tilespmem:s21], [sflag:$0x1] =	stream.indirect.gather [hbm4b:s1+s7], $0x80, s4, s7, $0xb8;
	[tilespmem:$0x1E1C0] =	vst v63  }
0x12c: {  	v1 =	vld [tilespmem:$0x1400]  }
0x12d: {  	v2 =	vld [tilespmem:$0x1410]  }
0x12e: {  	v3 =	vld [tilespmem:$0x1420]  }
0x12f: {  	v62 =	vld [tilespmem:$0x1430]  }
0x130: {  	v63 =	vld [tilespmem:$0x1440]  }
0x131: {  	[tilespmem:$0x2800] =	vst v1;
	v1 =	vld [tilespmem:$0x1450]  }
0x132: {  	[tilespmem:$0x2810] =	vst v2;
	v2 =	vld [tilespmem:$0x1460]  }
0x133: {  	[tilespmem:$0x2820] =	vst v3;
	v3 =	vld [tilespmem:$0x1470]  }
0x134: {  	[tilespmem:$0x2830] =	vst v62  }
0x135: {  	[tilespmem:$0x2840] =	vst v63  }
0x136: {  	[tilespmem:$0x2850] =	vst v1  }
0x137: {  	[tilespmem:$0x2860] =	vst v2  }
0x138: {  	s11 =	simm.s32 $0x14F0;
	[tilespmem:$0x2870] =	vst v3  }
0x139: {  	[tilespmem:s29], [sflag:$0x2] =	stream.indirect.gather [hbm4b:s1+s28], $0x80, s7, s28, $0xb8;
	[tilespmem:$0x1E1C0] =	vst v63  }
0x13a: {  	v1 =	vld [tilespmem:s11+$0xFFFFFF90];
	_ =	sdelay $0x4  }
0x13b: {  	[tilespmem:$0x2880] =	vst v1  }
0x13c: {  	v1 =	vld [tilespmem:s11+$0xFFFFFFA0];
	_ =	sdelay $0x4  }
0x13d: {  	[tilespmem:$0x2890] =	vst v1  }
0x13e: {  	v1 =	vld [tilespmem:s11+$0xFFFFFFB0];
	_ =	sdelay $0x4  }
0x13f: {  	[tilespmem:$0x28A0] =	vst v1  }
0x140: {  	v1 =	vld [tilespmem:s11+$0xFFFFFFC0];
	_ =	sdelay $0x4  }
0x141: {  	[tilespmem:$0x28B0] =	vst v1  }
0x142: {  	v1 =	vld [tilespmem:s11+$0xFFFFFFD0];
	_ =	sdelay $0x4  }
0x143: {  	[tilespmem:$0x28C0] =	vst v1  }
0x144: {  	v1 =	vld [tilespmem:s11+$0xFFFFFFE0];
	_ =	sdelay $0x4  }
0x145: {  	[tilespmem:$0x28D0] =	vst v1  }
0x146: {  	v1 =	vld [tilespmem:s11+$0xFFFFFFF0];
	_ =	sdelay $0x4  }
0x147: {  	[tilespmem:$0x28E0] =	vst v1  }
0x148: {  	v1 =	vld [tilespmem:s11+$0x0];
	_ =	sdelay $0x4  }
0x149: {  	[tilespmem:$0x28F0] =	vst v1  }
0x14a: {  	_ =	swait.ge [sflag:s22], $0x4000  }
0x14b: {  	[sflag:s22] =	ssyncset.done $0x0  }
0x14c: {  	[sflag:s22] =	ssyncadd.s32 $0xFFFFC000  }
0x14d: {  	[spmem:s3] =	stream.indirect.scatter.add.f32 [tilespmem:s21], [sflag:$0x6], $0x80, s30, s28, $0xb8;
	[tilespmem:$0x1E1C0] =	vst v63  }
0x14e: {  	p1 =	sgt.s32 s12, $0x2;
	s9 =	smov.u32 s12;
	_ =	swait.ge [sflag:s31], $0x4000  }
0x14f: {  	s9 =	smov.u32 @p1 s8;
	[sflag:s31] =	ssyncset.done $0x0  }
0x150: {  	s9 =	sshll.u32 s9, $0x7;
	[sflag:s31] =	ssyncadd.s32 $0xFFFFC000  }
0x151: {  	[tilespmem:s21], [sflag:$0x1] =	stream.indirect.gather [hbm4b:s1+s28], $0x80, s9, s28, $0xb8;
	[tilespmem:$0x1E1C0] =	vst v63  }
0x152: {  	v1 =	vld [tilespmem:s9+$0x1400];
	_ =	sdelay $0x4  }
0x153: {  	[tilespmem:$0x2800] =	vst v1  }
0x154: {  	v1 =	vld [tilespmem:s9+$0x1410];
	_ =	sdelay $0x4  }
0x155: {  	[tilespmem:$0x2810] =	vst v1  }
0x156: {  	v1 =	vld [tilespmem:s9+$0x1420];
	_ =	sdelay $0x4  }
0x157: {  	[tilespmem:$0x2820] =	vst v1  }
0x158: {  	v1 =	vld [tilespmem:s9+$0x1430];
	_ =	sdelay $0x4  }
0x159: {  	[tilespmem:$0x2830] =	vst v1  }
0x15a: {  	v1 =	vld [tilespmem:s9+$0x1440];
	_ =	sdelay $0x4  }
0x15b: {  	[tilespmem:$0x2840] =	vst v1  }
0x15c: {  	v1 =	vld [tilespmem:s9+$0x1450];
	_ =	sdelay $0x4  }
0x15d: {  	[tilespmem:$0x2850] =	vst v1  }
0x15e: {  	v1 =	vld [tilespmem:s9+$0x1460];
	_ =	sdelay $0x4  }
0x15f: {  	[tilespmem:$0x2860] =	vst v1  }
0x160: {  	v1 =	vld [tilespmem:s9+$0x1470];
	_ =	sdelay $0x4  }
0x161: {  	[tilespmem:$0x2870] =	vst v1  }
0x162: {  	p1 =	sne.s32 s19, $0x1;
	_ =	swait.ge [sflag:s23], $0x4000  }
.Ltmp2:
0x163: {  	[sflag:s23] =	ssyncset.done $0x0;
	(pc) =	sbr.rel @!p1 .LBB2_7-.Ltmp2, $4  }
0x164: {  	[sflag:s23] =	ssyncadd.s32 $0xFFFFC000  }
0x165: {  	[spmem:s3] =	stream.indirect.scatter.add.f32 [tilespmem:s29], [sflag:$0x6], $0x80, s0, s28, $0xb8;
	[tilespmem:$0x1E1C0] =	vst v63  }
0x166: {  	_ =	swait.ge [sflag:s31], $0x4000  }
0x167: {  	s10 =	sadd.s32 $0xFFFFFFFF, s19;
	s9 =	simm.s32 $0x15F0;
	[sflag:s31] =	ssyncset.done $0x0  }
.LBB2_6:
0x168: {  	s11 =	smov.u32 s9  }
0x169: {  	s8 =	sadd.s32 $0x2, s8;
	s7 =	sadd.s32 $0x100, s7;
	[sflag:s31] =	ssyncadd.s32 $0xFFFFC000  }
0x16a: {  	[tilespmem:s29], [sflag:$0x2] =	stream.indirect.gather [hbm4b:s1+s28], $0x80, s7, s28, $0xb8;
	[tilespmem:$0x1E1C0] =	vst v63  }
0x16b: {  	p1 =	sne.s32 s10, $0x1;
	s10 =	sadd.s32 $0xFFFFFFFF, s10;
	v1 =	vld [tilespmem:s9+$0xFFFFFF90];
	_ =	sdelay $0x4  }
0x16c: {  	[tilespmem:$0x2880] =	vst v1  }
0x16d: {  	v1 =	vld [tilespmem:s9+$0xFFFFFFA0];
	_ =	sdelay $0x4  }
0x16e: {  	[tilespmem:$0x2890] =	vst v1  }
0x16f: {  	v1 =	vld [tilespmem:s9+$0xFFFFFFB0];
	_ =	sdelay $0x4  }
0x170: {  	[tilespmem:$0x28A0] =	vst v1  }
0x171: {  	v1 =	vld [tilespmem:s9+$0xFFFFFFC0];
	_ =	sdelay $0x4  }
0x172: {  	[tilespmem:$0x28B0] =	vst v1  }
0x173: {  	v1 =	vld [tilespmem:s9+$0xFFFFFFD0];
	_ =	sdelay $0x4  }
0x174: {  	[tilespmem:$0x28C0] =	vst v1  }
0x175: {  	v1 =	vld [tilespmem:s9+$0xFFFFFFE0];
	_ =	sdelay $0x4  }
0x176: {  	[tilespmem:$0x28D0] =	vst v1  }
0x177: {  	v1 =	vld [tilespmem:s9+$0xFFFFFFF0];
	_ =	sdelay $0x4  }
0x178: {  	[tilespmem:$0x28E0] =	vst v1  }
0x179: {  	v1 =	vld [tilespmem:s9+$0x0];
	_ =	sdelay $0x4  }
0x17a: {  	[tilespmem:$0x28F0] =	vst v1  }
0x17b: {  	_ =	swait.ge [sflag:s22], $0x4000  }
0x17c: {  	[sflag:s22] =	ssyncset.done $0x0  }
0x17d: {  	[sflag:s22] =	ssyncadd.s32 $0xFFFFC000  }
0x17e: {  	[spmem:s3] =	stream.indirect.scatter.add.f32 [tilespmem:s21], [sflag:$0x6], $0x80, s30, s28, $0xb8;
	[tilespmem:$0x1E1C0] =	vst v63  }
0x17f: {  	s15 =	smov.u32 s12;
	p2 =	slt.s32 s8, s12;
	_ =	swait.ge [sflag:s31], $0x4000  }
0x180: {  	s15 =	smov.u32 @p2 s8;
	[sflag:s31] =	ssyncset.done $0x0  }
0x181: {  	s15 =	sshll.u32 s15, $0x7;
	[sflag:s31] =	ssyncadd.s32 $0xFFFFC000  }
0x182: {  	[tilespmem:s21], [sflag:$0x1] =	stream.indirect.gather [hbm4b:s1+s28], $0x80, s15, s28, $0xb8;
	[tilespmem:$0x1E1C0] =	vst v63  }
0x183: {  	v1 =	vld [tilespmem:s15+$0x1400];
	_ =	sdelay $0x4  }
0x184: {  	[tilespmem:$0x2800] =	vst v1  }
0x185: {  	v1 =	vld [tilespmem:s15+$0x1410];
	_ =	sdelay $0x4  }
0x186: {  	[tilespmem:$0x2810] =	vst v1  }
0x187: {  	v1 =	vld [tilespmem:s15+$0x1420];
	_ =	sdelay $0x4  }
0x188: {  	[tilespmem:$0x2820] =	vst v1  }
0x189: {  	v1 =	vld [tilespmem:s15+$0x1430];
	_ =	sdelay $0x4  }
0x18a: {  	[tilespmem:$0x2830] =	vst v1  }
0x18b: {  	v1 =	vld [tilespmem:s15+$0x1440];
	_ =	sdelay $0x4  }
0x18c: {  	[tilespmem:$0x2840] =	vst v1  }
0x18d: {  	v1 =	vld [tilespmem:s15+$0x1450];
	_ =	sdelay $0x4  }
0x18e: {  	[tilespmem:$0x2850] =	vst v1  }
0x18f: {  	v1 =	vld [tilespmem:s15+$0x1460];
	_ =	sdelay $0x4  }
0x190: {  	[tilespmem:$0x2860] =	vst v1  }
0x191: {  	v1 =	vld [tilespmem:s15+$0x1470];
	_ =	sdelay $0x4  }
0x192: {  	[tilespmem:$0x2870] =	vst v1  }
0x193: {  	_ =	swait.ge [sflag:s23], $0x4000  }
.Ltmp3:
0x194: {  	[sflag:s23] =	ssyncset.done $0x0;
	(pc) =	sbr.rel @p1 .LBB2_6-.Ltmp3, $4  }
0x195: {  	[sflag:s23] =	ssyncadd.s32 $0xFFFFC000  }
0x196: {  	[spmem:s3] =	stream.indirect.scatter.add.f32 [tilespmem:s29], [sflag:$0x6], $0x80, s0, s28, $0xb8;
	[tilespmem:$0x1E1C0] =	vst v63  }
0x197: {  	_ =	swait.ge [sflag:s31], $0x4000  }
0x198: {  	s9 =	sadd.s32 $0x100, s9;
	[sflag:s31] =	ssyncset.done $0x0  }
.LBB2_7:
0x199: {  	[sflag:s31] =	ssyncadd.s32 $0xFFFFC000;
	s7 =	sadd.s32 $0x100, s7  }
0x19a: {  	[tilespmem:s29], [sflag:$0x2] =	stream.indirect.gather [hbm4b:s1+s28], $0x80, s7, s28, $0xb8;
	[tilespmem:$0x1E1C0] =	vst v63  }
0x19b: {  	v1 =	vld [tilespmem:s11+$0x90];
	_ =	sdelay $0x4  }
0x19c: {  	[tilespmem:$0x2880] =	vst v1  }
0x19d: {  	v1 =	vld [tilespmem:s11+$0xA0];
	_ =	sdelay $0x4  }
0x19e: {  	[tilespmem:$0x2890] =	vst v1  }
0x19f: {  	v1 =	vld [tilespmem:s11+$0xB0];
	_ =	sdelay $0x4  }
0x1a0: {  	[tilespmem:$0x28A0] =	vst v1  }
0x1a1: {  	v1 =	vld [tilespmem:s11+$0xC0];
	_ =	sdelay $0x4  }
0x1a2: {  	[tilespmem:$0x28B0] =	vst v1  }
0x1a3: {  	v1 =	vld [tilespmem:s11+$0xD0];
	_ =	sdelay $0x4  }
0x1a4: {  	[tilespmem:$0x28C0] =	vst v1  }
0x1a5: {  	v1 =	vld [tilespmem:s11+$0xE0];
	_ =	sdelay $0x4  }
0x1a6: {  	[tilespmem:$0x28D0] =	vst v1  }
0x1a7: {  	v1 =	vld [tilespmem:s11+$0xF0];
	_ =	sdelay $0x4  }
0x1a8: {  	[tilespmem:$0x28E0] =	vst v1  }
0x1a9: {  	v1 =	vld [tilespmem:s11+$0x100];
	_ =	sdelay $0x4  }
0x1aa: {  	[tilespmem:$0x28F0] =	vst v1  }
0x1ab: {  	_ =	swait.ge [sflag:s22], $0x4000  }
0x1ac: {  	[sflag:s22] =	ssyncset.done $0x0  }
0x1ad: {  	s7 =	sadd.s32 $0x2, s8;
	[sflag:s22] =	ssyncadd.s32 $0xFFFFC000  }
0x1ae: {  	[spmem:s3] =	stream.indirect.scatter.add.f32 [tilespmem:s21], [sflag:$0x6], $0x80, s30, s28, $0xb8;
	[tilespmem:$0x1E1C0] =	vst v63  }
0x1af: {  	s8 =	smov.u32 s12;
	p1 =	slt.s32 s7, s12;
	_ =	swait.ge [sflag:s31], $0x4000  }
0x1b0: {  	s8 =	smov.u32 @p1 s7;
	[sflag:s31] =	ssyncset.done $0x0  }
0x1b1: {  	s7 =	sshll.u32 s8, $0x7;
	[sflag:s31] =	ssyncadd.s32 $0xFFFFC000  }
0x1b2: {  	[tilespmem:s21], [sflag:$0x1] =	stream.indirect.gather [hbm4b:s1+s28], $0x80, s7, s28, $0xb8;
	[tilespmem:$0x1E1C0] =	vst v63  }
0x1b3: {  	v1 =	vld [tilespmem:s7+$0x1400];
	_ =	sdelay $0x4  }
0x1b4: {  	[tilespmem:$0x2800] =	vst v1  }
0x1b5: {  	v1 =	vld [tilespmem:s7+$0x1410];
	_ =	sdelay $0x4  }
0x1b6: {  	[tilespmem:$0x2810] =	vst v1  }
0x1b7: {  	v1 =	vld [tilespmem:s7+$0x1420];
	_ =	sdelay $0x4  }
0x1b8: {  	[tilespmem:$0x2820] =	vst v1  }
0x1b9: {  	v1 =	vld [tilespmem:s7+$0x1430];
	_ =	sdelay $0x4  }
0x1ba: {  	[tilespmem:$0x2830] =	vst v1  }
0x1bb: {  	v1 =	vld [tilespmem:s7+$0x1440];
	_ =	sdelay $0x4  }
0x1bc: {  	[tilespmem:$0x2840] =	vst v1  }
0x1bd: {  	v1 =	vld [tilespmem:s7+$0x1450];
	_ =	sdelay $0x4  }
0x1be: {  	[tilespmem:$0x2850] =	vst v1  }
0x1bf: {  	v1 =	vld [tilespmem:s7+$0x1460];
	_ =	sdelay $0x4  }
0x1c0: {  	[tilespmem:$0x2860] =	vst v1  }
0x1c1: {  	v1 =	vld [tilespmem:s7+$0x1470];
	_ =	sdelay $0x4  }
0x1c2: {  	[tilespmem:$0x2870] =	vst v1  }
0x1c3: {  	_ =	swait.ge [sflag:s23], $0x4000  }
0x1c4: {  	[sflag:s23] =	ssyncset.done $0x0  }
0x1c5: {  	[sflag:s23] =	ssyncadd.s32 $0xFFFFC000  }
0x1c6: {  	[spmem:s3] =	stream.indirect.scatter.add.f32 [tilespmem:s29], [sflag:$0x6], $0x80, s0, s28, $0xb8;
	[tilespmem:$0x1E1C0] =	vst v63  }
0x1c7: {  	_ =	swait.ge [sflag:s31], $0x4000  }
0x1c8: {  	[sflag:s31] =	ssyncset.done $0x0  }
0x1c9: {  	[sflag:s31] =	ssyncadd.s32 $0xFFFFC000  }
0x1ca: {  	_ =	swait.ge [sflag:s22], $0x4000  }
0x1cb: {  	s11 =	stileid.u32;
	[sflag:s22] =	ssyncset.done $0x0  }
0x1cc: {  	s7 =	sshll.u32 s11, $0x6;
	[sflag:s22] =	ssyncadd.s32 $0xFFFFC000  }
0x1cd: {  	s15 =	sshrl.u32 s5, $0x3;
	s7 =	sor.u32 $0x1C06, s7;
	[bflag:$0x0] =	sbarrier.arrive $0xFFFF  }
0x1ce: {  	[hbm:s16], [sflag:s7] =	dma.local [spmem:s15], $0x2700  }
0x1cf: {  	_ =	swait.ge [sflag:s31], $0x2700  }
0x1d0: {  	s6 =	sadd.s32 $0x1, s6;
	[sflag:s31] =	ssyncset.done $0x0  }
0x1d1: {  	p1 =	sne.s32 s6, s18;
	[sflag:s31] =	ssyncadd.s32 $0xFFFFD900  }
0x1d2: {  	[hbm:s17], [sflag:s7] =	dma.local @!p0 [spmem:s25], $0x80  }
.Ltmp4:
0x1d3: {  	_ = 	snop;
	(pc) =	sbr.rel @p1 .LBB2_1-.Ltmp4, $4  }
0x1d4: {  	s7 =	simm.s32 @!p0 $0x6  }
0x1d5: {  	_ =	swait.ge @!p0 [sflag:s7], $0x80  }
0x1d6: {  	[sflag:s7] =	ssyncset.done @!p0 $0x0  }
0x1d7: {  	[sflag:s7] =	ssyncadd.s32 @!p0 $0xFFFFFF80  }
0x1d8: {  	_ =	sfence.sel $0x180000  }
0x1d9: {  	[bflag:$0x0] =	sbarrier.arrive $0xFFFF  }
0x1da: {  	_ =	strace $0x90000047  }
0x1db: {  	s0 =	stileid.u32;
	[bflag:$0x2] =	sbarrier.arrive $0xFFFF  }
0x1dc: {  	p0 =	sne.s32 s0, $0x0;
	s0 =	rddreg [dreg:$0x3]  }
0x1dd: {  	s0 =	sadd.s32 @!p0 $0x100000, s0  }
0x1de: {  	[sflag:s0] =	ssyncadd.tile.s32 @!p0 $0x1;
	_ =	shalt  }
.Lfunc_end2:
_tile_overlayer_lowered:
.L_overlay_start_2:
0x1df: {  	(tag) =	ssettag $0x2  }
0x1e0: {  	s0 =	rddreg [dreg:$0x0];
	s2 =	stileid.u32  }
0x1e1: {  	s1 =	rddreg [dreg:$0x1];
	p0 =	sne.s32 s2, $0x0  }
0x1e2: {  	s3 =	rddreg [dreg:$0x2];
	[bflag:$0x3] =	sbarrier.arrive $0xFFFF;
	s2 =	simm.s32 @!p0 $0x1C06  }
0x1e3: {  	[timem:s3], [sflag:s2] =	dma.local @!p0 [hbm:s0], s1  }
0x1e4: {  	s0 =	simm.s32 @!p0 $0x6  }
0x1e5: {  	_ =	swait.ge @!p0 [sflag:s0], s1  }
0x1e6: {  	s1 =	ssub.s32 @!p0 $0x0, s1;
	[sflag:s0] =	ssyncset.done @!p0 $0x0  }
0x1e7: {  	[sflag:s0] =	ssyncadd.s32 @!p0 s1  }
0x1e8: {  	[bflag:$0x3] =	sbarrier.arrive $0xFFFF  }
0x1e9: {  	_ =	shalt  }

</sc_bundles>
